<compile_context>
chip_gen: v7x
topology: tpu7x:2x2x1
jax: 0.10.2.dev20260603
libtpu: 0.0.44.dev20260713+nightly
codegen_flags: <defaults>
</compile_context>

<pallas_src>
import functools

import jax
import jax.numpy as jnp
from jax import lax
from jax.experimental import pallas as pl
from jax.experimental.pallas import tpu as pltpu
from jax.experimental.pallas import tpu_sc as plsc


def kernel(tokens, W_pos):
    batch, seq_len = tokens.shape
    d = W_pos.shape[1]
    info = plsc.get_sparse_core_info()
    nw = info.num_cores * info.num_subcores
    rows_per_w = seq_len // nw
    mesh = plsc.VectorSubcoreMesh(core_axis_name="c", subcore_axis_name="s")

    chunk = 16
    sizes = [chunk] * (rows_per_w // chunk)
    offs = [sum(sizes[:i]) for i in range(len(sizes))]
    n_chunks = len(sizes)

    @functools.partial(
        pl.kernel,
        mesh=mesh,
        out_type=jax.ShapeDtypeStruct((batch, seq_len, d), W_pos.dtype),
        scratch_types=[
            pltpu.VMEM((chunk, d), jnp.float32),
            pltpu.VMEM((chunk, d), jnp.float32),
            pltpu.VMEM((chunk, d), jnp.float32),
            pltpu.SemaphoreType.DMA,
            pltpu.SemaphoreType.DMA,
            pltpu.SemaphoreType.DMA,
            pltpu.SemaphoreType.DMA,
            pltpu.SemaphoreType.DMA,
            pltpu.SemaphoreType.DMA,
        ],
    )
    def sc_bcast(w_hbm, out_hbm, buf0, buf1, buf2, gs0, gs1, gs2, ss0, ss1, ss2):
        wid = lax.axis_index("s") * info.num_cores + lax.axis_index("c")
        base = wid * rows_per_w
        nbuf = 3
        bufs, gsems, ssems = [buf0, buf1, buf2], [gs0, gs1, gs2], [ss0, ss1, ss2]

        def start_gather(i):
            off = base + offs[i]
            return pltpu.async_copy(
                w_hbm.at[pl.ds(off, sizes[i]), :],
                bufs[i % nbuf].at[pl.ds(0, sizes[i]), :],
                gsems[i % nbuf],
            )

        gathers = [None] * n_chunks
        scatters = [None] * n_chunks
        gathers[0] = start_gather(0)
        gathers[1] = start_gather(1)
        for i in range(n_chunks):
            if i + 2 < n_chunks:
                if i >= 1:
                    for h in scatters[i - 1]:
                        h.wait()
                gathers[i + 2] = start_gather(i + 2)
            gathers[i].wait()
            off = base + offs[i]
            scatters[i] = [
                pltpu.async_copy(
                    bufs[i % nbuf].at[pl.ds(0, sizes[i]), :],
                    out_hbm.at[b, pl.ds(off, sizes[i]), :],
                    ssems[i % nbuf],
                )
                for b in range(batch)
            ]
        for i in (n_chunks - 3, n_chunks - 2, n_chunks - 1):
            for h in scatters[i]:
                h.wait()

    return sc_bcast(W_pos)

# --- scband reference (transcript-rebuilt; emitter-appended) ---
"""Pipeline reference for scband-pos-embed-12481174962244 (READ-ONLY COPY).

The authoritative reference and input builder live on the scoring server;
editing this copy changes nothing except your own understanding.
"""

import jax, jax.numpy as jnp
import numpy as np

N_CTX = 8192
D_MODEL = 2048

def setup_inputs(seed: int = 0) -> dict:
    key = jax.random.key(seed)
    k1, k2 = jax.random.split(key)
    tokens = jax.random.randint(k1, (4, 4096), 0, 50257, dtype=jnp.int64) if jax.config.jax_enable_x64 else jax.random.randint(k1, (4, 4096), 0, 50257, dtype=jnp.int32)
    W_pos = 0.01 * jax.random.normal(k2, (N_CTX, D_MODEL), dtype=jnp.float32)
    return {"tokens": tokens, "W_pos": W_pos}

def reference(tokens, W_pos):
    batch, seq_len = tokens.shape
    # einops.repeat(W_pos[:seq_len], 'seq d -> batch seq d', batch=batch)
    pos = W_pos[:seq_len]
    out = jnp.broadcast_to(pos[None, :, :], (batch, seq_len, pos.shape[1]))
    return out

if __name__ == "__main__":
    import jax
    _d = setup_inputs()
    print(jax.jit(kernel)(*tuple(_d.values())))

</pallas_src>

<mosaic_0001>
#map = affine_map<(d0, d1) -> (0, 0)>
#map1 = affine_map<(d0, d1) -> (0, 0, 0)>
module attributes {stable_mosaic.version = 14 : i64} {
  func.func @sc_bcast(%arg0: i32, %arg1: i32, %arg2: memref<8192x2048xf32, #tpu.memory_space<hbm>>, %arg3: memref<4x4096x2048xf32, #tpu.memory_space<hbm>>, %arg4: memref<16x2048xf32, #tpu.memory_space<vmem>>, %arg5: memref<16x2048xf32, #tpu.memory_space<vmem>>, %arg6: memref<16x2048xf32, #tpu.memory_space<vmem>>, %arg7: memref<!tpu.dma_semaphore, #tpu.memory_space<semaphore_mem>>, %arg8: memref<!tpu.dma_semaphore, #tpu.memory_space<semaphore_mem>>, %arg9: memref<!tpu.dma_semaphore, #tpu.memory_space<semaphore_mem>>, %arg10: memref<!tpu.dma_semaphore, #tpu.memory_space<semaphore_mem>>, %arg11: memref<!tpu.dma_semaphore, #tpu.memory_space<semaphore_mem>>, %arg12: memref<!tpu.dma_semaphore, #tpu.memory_space<semaphore_mem>>) attributes {dimension_semantics = [#tpu.dimension_semantics<core_parallel>, #tpu.dimension_semantics<subcore_parallel>], iteration_bounds = array<i64: 2, 16>, scalar_prefetch = 0 : i64, scratch_operands = 9 : i64, tpu.core_type = #tpu.core_type<sc_vector_subcore>, window_params = [{transform_indices = #map}, {transform_indices = #map1}]} {
    %mul3A = arith.constant 2 : i32
    %mul3A_0 = arith.muli %arg1, %mul3A : i32
    %add3A = arith.addi %mul3A_0, %arg0 : i32
    %mul3A_1 = arith.constant 128 : i32
    %mul3A_2 = arith.muli %add3A, %mul3A_1 : i32
    %add3A_3 = arith.constant 0 : i32
    %add3A_4 = arith.addi %mul3A_2, %add3A_3 : i32
    %dma_start3A = arith.constant 0 : i32
    %dma_start3A_5 = arith.constant 0 : i32
    %dma_start3A_6 = tpu.memref_slice %arg4[%dma_start3A, %dma_start3A_5] : memref<16x2048xf32, #tpu.memory_space<vmem>> -> memref<16x2048xf32, #tpu.memory_space<vmem>>
    %dma_start3A_7 = arith.constant 0 : i32
    %dma_start3A_8 = tpu.memref_slice %arg2[%add3A_4, %dma_start3A_7] : memref<8192x2048xf32, #tpu.memory_space<hbm>> -> memref<16x2048xf32, #tpu.memory_space<hbm>>
    %dma_start3A_9 = arith.constant 0 : i32
    %dma_start3A_10 = arith.constant 0 : i32
    %dma_start3A_11 = tpu.memref_slice %arg4[%dma_start3A_9, %dma_start3A_10] : memref<16x2048xf32, #tpu.memory_space<vmem>> -> memref<16x2048xf32, #tpu.memory_space<vmem>>
    %dma_start3A_12 = arith.constant 0 : i32
    %dma_start3A_13 = tpu.memref_slice %arg2[%add3A_4, %dma_start3A_12] : memref<8192x2048xf32, #tpu.memory_space<hbm>> -> memref<16x2048xf32, #tpu.memory_space<hbm>>
    tpu.enqueue_dma source(%dma_start3A_13 : memref<16x2048xf32, #tpu.memory_space<hbm>>) target(%dma_start3A_11 : memref<16x2048xf32, #tpu.memory_space<vmem>>) target_semaphore(%arg7 : memref<!tpu.dma_semaphore, #tpu.memory_space<semaphore_mem>>)
    %add3A_14 = arith.constant 16 : i32
    %add3A_15 = arith.addi %mul3A_2, %add3A_14 : i32
    %dma_start3A_16 = arith.constant 0 : i32
    %dma_start3A_17 = arith.constant 0 : i32
    %dma_start3A_18 = tpu.memref_slice %arg5[%dma_start3A_16, %dma_start3A_17] : memref<16x2048xf32, #tpu.memory_space<vmem>> -> memref<16x2048xf32, #tpu.memory_space<vmem>>
    %dma_start3A_19 = arith.constant 0 : i32
    %dma_start3A_20 = tpu.memref_slice %arg2[%add3A_15, %dma_start3A_19] : memref<8192x2048xf32, #tpu.memory_space<hbm>> -> memref<16x2048xf32, #tpu.memory_space<hbm>>
    %dma_start3A_21 = arith.constant 0 : i32
    %dma_start3A_22 = arith.constant 0 : i32
    %dma_start3A_23 = tpu.memref_slice %arg5[%dma_start3A_21, %dma_start3A_22] : memref<16x2048xf32, #tpu.memory_space<vmem>> -> memref<16x2048xf32, #tpu.memory_space<vmem>>
    %dma_start3A_24 = arith.constant 0 : i32
    %dma_start3A_25 = tpu.memref_slice %arg2[%add3A_15, %dma_start3A_24] : memref<8192x2048xf32, #tpu.memory_space<hbm>> -> memref<16x2048xf32, #tpu.memory_space<hbm>>
    tpu.enqueue_dma source(%dma_start3A_25 : memref<16x2048xf32, #tpu.memory_space<hbm>>) target(%dma_start3A_23 : memref<16x2048xf32, #tpu.memory_space<vmem>>) target_semaphore(%arg8 : memref<!tpu.dma_semaphore, #tpu.memory_space<semaphore_mem>>)
    %add3A_26 = arith.constant 32 : i32
    %add3A_27 = arith.addi %mul3A_2, %add3A_26 : i32
    %dma_start3A_28 = arith.constant 0 : i32
    %dma_start3A_29 = arith.constant 0 : i32
    %dma_start3A_30 = tpu.memref_slice %arg6[%dma_start3A_28, %dma_start3A_29] : memref<16x2048xf32, #tpu.memory_space<vmem>> -> memref<16x2048xf32, #tpu.memory_space<vmem>>
    %dma_start3A_31 = arith.constant 0 : i32
    %dma_start3A_32 = tpu.memref_slice %arg2[%add3A_27, %dma_start3A_31] : memref<8192x2048xf32, #tpu.memory_space<hbm>> -> memref<16x2048xf32, #tpu.memory_space<hbm>>
    %dma_start3A_33 = arith.constant 0 : i32
    %dma_start3A_34 = arith.constant 0 : i32
    %dma_start3A_35 = tpu.memref_slice %arg6[%dma_start3A_33, %dma_start3A_34] : memref<16x2048xf32, #tpu.memory_space<vmem>> -> memref<16x2048xf32, #tpu.memory_space<vmem>>
    %dma_start3A_36 = arith.constant 0 : i32
    %dma_start3A_37 = tpu.memref_slice %arg2[%add3A_27, %dma_start3A_36] : memref<8192x2048xf32, #tpu.memory_space<hbm>> -> memref<16x2048xf32, #tpu.memory_space<hbm>>
    tpu.enqueue_dma source(%dma_start3A_37 : memref<16x2048xf32, #tpu.memory_space<hbm>>) target(%dma_start3A_35 : memref<16x2048xf32, #tpu.memory_space<vmem>>) target_semaphore(%arg9 : memref<!tpu.dma_semaphore, #tpu.memory_space<semaphore_mem>>)
    %dma_wait3A = arith.constant 0 : i32
    %dma_wait3A_38 = arith.constant 0 : i32
    %dma_wait3A_39 = tpu.memref_slice %arg4[%dma_wait3A, %dma_wait3A_38] : memref<16x2048xf32, #tpu.memory_space<vmem>> -> memref<16x2048xf32, #tpu.memory_space<vmem>>
    %dma_wait3A_40 = arith.constant 0 : i32
    %dma_wait3A_41 = tpu.memref_slice %arg2[%add3A_4, %dma_wait3A_40] : memref<8192x2048xf32, #tpu.memory_space<hbm>> -> memref<16x2048xf32, #tpu.memory_space<hbm>>
    %dma_wait3A_42 = arith.constant 0 : i32
    %dma_wait3A_43 = arith.constant 0 : i32
    %dma_wait3A_44 = tpu.memref_slice %arg4[%dma_wait3A_42, %dma_wait3A_43] : memref<16x2048xf32, #tpu.memory_space<vmem>> -> memref<16x2048xf32, #tpu.memory_space<vmem>>
    %dma_wait3A_45 = arith.constant 0 : i32
    %dma_wait3A_46 = tpu.memref_slice %arg2[%add3A_4, %dma_wait3A_45] : memref<8192x2048xf32, #tpu.memory_space<hbm>> -> memref<16x2048xf32, #tpu.memory_space<hbm>>
    tpu.wait_dma2 semaphore(%arg7 : memref<!tpu.dma_semaphore, #tpu.memory_space<semaphore_mem>>) src(%dma_wait3A_46 : memref<16x2048xf32, #tpu.memory_space<hbm>>) dst(%dma_wait3A_44 : memref<16x2048xf32, #tpu.memory_space<vmem>>)
    %add3A_47 = arith.constant 0 : i32
    %add3A_48 = arith.addi %mul3A_2, %add3A_47 : i32
    %dma_start3A_49 = arith.constant 0 : i32
    %dma_start3A_50 = arith.constant 0 : i32
    %dma_start3A_51 = arith.constant 0 : i32
    %dma_start3A_52 = tpu.memref_slice %arg4[%dma_start3A_50, %dma_start3A_51] : memref<16x2048xf32, #tpu.memory_space<vmem>> -> memref<16x2048xf32, #tpu.memory_space<vmem>>
    %dma_start3A_53 = arith.constant 0 : i32
    %dma_start3A_54 = tpu.memref_slice %arg3[%dma_start3A_49, %add3A_48, %dma_start3A_53] : memref<4x4096x2048xf32, #tpu.memory_space<hbm>> -> memref<1x16x2048xf32, #tpu.memory_space<hbm>>
    %dma_start3A_55 = tpu.memref_squeeze %dma_start3A_54 : memref<1x16x2048xf32, #tpu.memory_space<hbm>> -> memref<16x2048xf32, #tpu.memory_space<hbm>>
    %dma_start3A_56 = arith.constant 0 : i32
    %dma_start3A_57 = tpu.memref_slice %arg3[%dma_start3A_49, %add3A_48, %dma_start3A_56] : memref<4x4096x2048xf32, #tpu.memory_space<hbm>> -> memref<1x16x2048xf32, #tpu.memory_space<hbm>>
    %dma_start3A_58 = tpu.memref_squeeze %dma_start3A_57 : memref<1x16x2048xf32, #tpu.memory_space<hbm>> -> memref<16x2048xf32, #tpu.memory_space<hbm>>
    %dma_start3A_59 = arith.constant 0 : i32
    %dma_start3A_60 = arith.constant 0 : i32
    %dma_start3A_61 = tpu.memref_slice %arg4[%dma_start3A_59, %dma_start3A_60] : memref<16x2048xf32, #tpu.memory_space<vmem>> -> memref<16x2048xf32, #tpu.memory_space<vmem>>
    tpu.enqueue_dma source(%dma_start3A_61 : memref<16x2048xf32, #tpu.memory_space<vmem>>) target(%dma_start3A_58 : memref<16x2048xf32, #tpu.memory_space<hbm>>) target_semaphore(%arg10 : memref<!tpu.dma_semaphore, #tpu.memory_space<semaphore_mem>>)
    %dma_start3A_62 = arith.constant 1 : i32
    %dma_start3A_63 = arith.constant 0 : i32
    %dma_start3A_64 = arith.constant 0 : i32
    %dma_start3A_65 = tpu.memref_slice %arg4[%dma_start3A_63, %dma_start3A_64] : memref<16x2048xf32, #tpu.memory_space<vmem>> -> memref<16x2048xf32, #tpu.memory_space<vmem>>
    %dma_start3A_66 = arith.constant 0 : i32
    %dma_start3A_67 = tpu.memref_slice %arg3[%dma_start3A_62, %add3A_48, %dma_start3A_66] : memref<4x4096x2048xf32, #tpu.memory_space<hbm>> -> memref<1x16x2048xf32, #tpu.memory_space<hbm>>
    %dma_start3A_68 = tpu.memref_squeeze %dma_start3A_67 : memref<1x16x2048xf32, #tpu.memory_space<hbm>> -> memref<16x2048xf32, #tpu.memory_space<hbm>>
    %dma_start3A_69 = arith.constant 0 : i32
    %dma_start3A_70 = tpu.memref_slice %arg3[%dma_start3A_62, %add3A_48, %dma_start3A_69] : memref<4x4096x2048xf32, #tpu.memory_space<hbm>> -> memref<1x16x2048xf32, #tpu.memory_space<hbm>>
    %dma_start3A_71 = tpu.memref_squeeze %dma_start3A_70 : memref<1x16x2048xf32, #tpu.memory_space<hbm>> -> memref<16x2048xf32, #tpu.memory_space<hbm>>
    %dma_start3A_72 = arith.constant 0 : i32
    %dma_start3A_73 = arith.constant 0 : i32
    %dma_start3A_74 = tpu.memref_slice %arg4[%dma_start3A_72, %dma_start3A_73] : memref<16x2048xf32, #tpu.memory_space<vmem>> -> memref<16x2048xf32, #tpu.memory_space<vmem>>
    tpu.enqueue_dma source(%dma_start3A_74 : memref<16x2048xf32, #tpu.memory_space<vmem>>) target(%dma_start3A_71 : memref<16x2048xf32, #tpu.memory_space<hbm>>) target_semaphore(%arg10 : memref<!tpu.dma_semaphore, #tpu.memory_space<semaphore_mem>>)
    %dma_start3A_75 = arith.constant 2 : i32
    %dma_start3A_76 = arith.constant 0 : i32
    %dma_start3A_77 = arith.constant 0 : i32
    %dma_start3A_78 = tpu.memref_slice %arg4[%dma_start3A_76, %dma_start3A_77] : memref<16x2048xf32, #tpu.memory_space<vmem>> -> memref<16x2048xf32, #tpu.memory_space<vmem>>
    %dma_start3A_79 = arith.constant 0 : i32
    %dma_start3A_80 = tpu.memref_slice %arg3[%dma_start3A_75, %add3A_48, %dma_start3A_79] : memref<4x4096x2048xf32, #tpu.memory_space<hbm>> -> memref<1x16x2048xf32, #tpu.memory_space<hbm>>
    %dma_start3A_81 = tpu.memref_squeeze %dma_start3A_80 : memref<1x16x2048xf32, #tpu.memory_space<hbm>> -> memref<16x2048xf32, #tpu.memory_space<hbm>>
    %dma_start3A_82 = arith.constant 0 : i32
    %dma_start3A_83 = tpu.memref_slice %arg3[%dma_start3A_75, %add3A_48, %dma_start3A_82] : memref<4x4096x2048xf32, #tpu.memory_space<hbm>> -> memref<1x16x2048xf32, #tpu.memory_space<hbm>>
    %dma_start3A_84 = tpu.memref_squeeze %dma_start3A_83 : memref<1x16x2048xf32, #tpu.memory_space<hbm>> -> memref<16x2048xf32, #tpu.memory_space<hbm>>
    %dma_start3A_85 = arith.constant 0 : i32
    %dma_start3A_86 = arith.constant 0 : i32
    %dma_start3A_87 = tpu.memref_slice %arg4[%dma_start3A_85, %dma_start3A_86] : memref<16x2048xf32, #tpu.memory_space<vmem>> -> memref<16x2048xf32, #tpu.memory_space<vmem>>
    tpu.enqueue_dma source(%dma_start3A_87 : memref<16x2048xf32, #tpu.memory_space<vmem>>) target(%dma_start3A_84 : memref<16x2048xf32, #tpu.memory_space<hbm>>) target_semaphore(%arg10 : memref<!tpu.dma_semaphore, #tpu.memory_space<semaphore_mem>>)
    %dma_start3A_88 = arith.constant 3 : i32
    %dma_start3A_89 = arith.constant 0 : i32
    %dma_start3A_90 = arith.constant 0 : i32
    %dma_start3A_91 = tpu.memref_slice %arg4[%dma_start3A_89, %dma_start3A_90] : memref<16x2048xf32, #tpu.memory_space<vmem>> -> memref<16x2048xf32, #tpu.memory_space<vmem>>
    %dma_start3A_92 = arith.constant 0 : i32
    %dma_start3A_93 = tpu.memref_slice %arg3[%dma_start3A_88, %add3A_48, %dma_start3A_92] : memref<4x4096x2048xf32, #tpu.memory_space<hbm>> -> memref<1x16x2048xf32, #tpu.memory_space<hbm>>
    %dma_start3A_94 = tpu.memref_squeeze %dma_start3A_93 : memref<1x16x2048xf32, #tpu.memory_space<hbm>> -> memref<16x2048xf32, #tpu.memory_space<hbm>>
    %dma_start3A_95 = arith.constant 0 : i32
    %dma_start3A_96 = tpu.memref_slice %arg3[%dma_start3A_88, %add3A_48, %dma_start3A_95] : memref<4x4096x2048xf32, #tpu.memory_space<hbm>> -> memref<1x16x2048xf32, #tpu.memory_space<hbm>>
    %dma_start3A_97 = tpu.memref_squeeze %dma_start3A_96 : memref<1x16x2048xf32, #tpu.memory_space<hbm>> -> memref<16x2048xf32, #tpu.memory_space<hbm>>
    %dma_start3A_98 = arith.constant 0 : i32
    %dma_start3A_99 = arith.constant 0 : i32
    %dma_start3A_100 = tpu.memref_slice %arg4[%dma_start3A_98, %dma_start3A_99] : memref<16x2048xf32, #tpu.memory_space<vmem>> -> memref<16x2048xf32, #tpu.memory_space<vmem>>
    tpu.enqueue_dma source(%dma_start3A_100 : memref<16x2048xf32, #tpu.memory_space<vmem>>) target(%dma_start3A_97 : memref<16x2048xf32, #tpu.memory_space<hbm>>) target_semaphore(%arg10 : memref<!tpu.dma_semaphore, #tpu.memory_space<semaphore_mem>>)
    %dma_wait3A_101 = arith.constant 0 : i32
    %dma_wait3A_102 = arith.constant 0 : i32
    %dma_wait3A_103 = arith.constant 0 : i32
    %dma_wait3A_104 = tpu.memref_slice %arg4[%dma_wait3A_102, %dma_wait3A_103] : memref<16x2048xf32, #tpu.memory_space<vmem>> -> memref<16x2048xf32, #tpu.memory_space<vmem>>
    %dma_wait3A_105 = arith.constant 0 : i32
    %dma_wait3A_106 = tpu.memref_slice %arg3[%dma_wait3A_101, %add3A_48, %dma_wait3A_105] : memref<4x4096x2048xf32, #tpu.memory_space<hbm>> -> memref<1x16x2048xf32, #tpu.memory_space<hbm>>
    %dma_wait3A_107 = tpu.memref_squeeze %dma_wait3A_106 : memref<1x16x2048xf32, #tpu.memory_space<hbm>> -> memref<16x2048xf32, #tpu.memory_space<hbm>>
    %dma_wait3A_108 = arith.constant 0 : i32
    %dma_wait3A_109 = tpu.memref_slice %arg3[%dma_wait3A_101, %add3A_48, %dma_wait3A_108] : memref<4x4096x2048xf32, #tpu.memory_space<hbm>> -> memref<1x16x2048xf32, #tpu.memory_space<hbm>>
    %dma_wait3A_110 = tpu.memref_squeeze %dma_wait3A_109 : memref<1x16x2048xf32, #tpu.memory_space<hbm>> -> memref<16x2048xf32, #tpu.memory_space<hbm>>
    %dma_wait3A_111 = arith.constant 0 : i32
    %dma_wait3A_112 = arith.constant 0 : i32
    %dma_wait3A_113 = tpu.memref_slice %arg4[%dma_wait3A_111, %dma_wait3A_112] : memref<16x2048xf32, #tpu.memory_space<vmem>> -> memref<16x2048xf32, #tpu.memory_space<vmem>>
    tpu.wait_dma2 semaphore(%arg10 : memref<!tpu.dma_semaphore, #tpu.memory_space<semaphore_mem>>) src(%dma_wait3A_113 : memref<16x2048xf32, #tpu.memory_space<vmem>>) dst(%dma_wait3A_110 : memref<16x2048xf32, #tpu.memory_space<hbm>>)
    %dma_wait3A_114 = arith.constant 1 : i32
    %dma_wait3A_115 = arith.constant 0 : i32
    %dma_wait3A_116 = arith.constant 0 : i32
    %dma_wait3A_117 = tpu.memref_slice %arg4[%dma_wait3A_115, %dma_wait3A_116] : memref<16x2048xf32, #tpu.memory_space<vmem>> -> memref<16x2048xf32, #tpu.memory_space<vmem>>
    %dma_wait3A_118 = arith.constant 0 : i32
    %dma_wait3A_119 = tpu.memref_slice %arg3[%dma_wait3A_114, %add3A_48, %dma_wait3A_118] : memref<4x4096x2048xf32, #tpu.memory_space<hbm>> -> memref<1x16x2048xf32, #tpu.memory_space<hbm>>
    %dma_wait3A_120 = tpu.memref_squeeze %dma_wait3A_119 : memref<1x16x2048xf32, #tpu.memory_space<hbm>> -> memref<16x2048xf32, #tpu.memory_space<hbm>>
    %dma_wait3A_121 = arith.constant 0 : i32
    %dma_wait3A_122 = tpu.memref_slice %arg3[%dma_wait3A_114, %add3A_48, %dma_wait3A_121] : memref<4x4096x2048xf32, #tpu.memory_space<hbm>> -> memref<1x16x2048xf32, #tpu.memory_space<hbm>>
    %dma_wait3A_123 = tpu.memref_squeeze %dma_wait3A_122 : memref<1x16x2048xf32, #tpu.memory_space<hbm>> -> memref<16x2048xf32, #tpu.memory_space<hbm>>
    %dma_wait3A_124 = arith.constant 0 : i32
    %dma_wait3A_125 = arith.constant 0 : i32
    %dma_wait3A_126 = tpu.memref_slice %arg4[%dma_wait3A_124, %dma_wait3A_125] : memref<16x2048xf32, #tpu.memory_space<vmem>> -> memref<16x2048xf32, #tpu.memory_space<vmem>>
    tpu.wait_dma2 semaphore(%arg10 : memref<!tpu.dma_semaphore, #tpu.memory_space<semaphore_mem>>) src(%dma_wait3A_126 : memref<16x2048xf32, #tpu.memory_space<vmem>>) dst(%dma_wait3A_123 : memref<16x2048xf32, #tpu.memory_space<hbm>>)
    %dma_wait3A_127 = arith.constant 2 : i32
    %dma_wait3A_128 = arith.constant 0 : i32
    %dma_wait3A_129 = arith.constant 0 : i32
    %dma_wait3A_130 = tpu.memref_slice %arg4[%dma_wait3A_128, %dma_wait3A_129] : memref<16x2048xf32, #tpu.memory_space<vmem>> -> memref<16x2048xf32, #tpu.memory_space<vmem>>
    %dma_wait3A_131 = arith.constant 0 : i32
    %dma_wait3A_132 = tpu.memref_slice %arg3[%dma_wait3A_127, %add3A_48, %dma_wait3A_131] : memref<4x4096x2048xf32, #tpu.memory_space<hbm>> -> memref<1x16x2048xf32, #tpu.memory_space<hbm>>
    %dma_wait3A_133 = tpu.memref_squeeze %dma_wait3A_132 : memref<1x16x2048xf32, #tpu.memory_space<hbm>> -> memref<16x2048xf32, #tpu.memory_space<hbm>>
    %dma_wait3A_134 = arith.constant 0 : i32
    %dma_wait3A_135 = tpu.memref_slice %arg3[%dma_wait3A_127, %add3A_48, %dma_wait3A_134] : memref<4x4096x2048xf32, #tpu.memory_space<hbm>> -> memref<1x16x2048xf32, #tpu.memory_space<hbm>>
    %dma_wait3A_136 = tpu.memref_squeeze %dma_wait3A_135 : memref<1x16x2048xf32, #tpu.memory_space<hbm>> -> memref<16x2048xf32, #tpu.memory_space<hbm>>
    %dma_wait3A_137 = arith.constant 0 : i32
    %dma_wait3A_138 = arith.constant 0 : i32
    %dma_wait3A_139 = tpu.memref_slice %arg4[%dma_wait3A_137, %dma_wait3A_138] : memref<16x2048xf32, #tpu.memory_space<vmem>> -> memref<16x2048xf32, #tpu.memory_space<vmem>>
    tpu.wait_dma2 semaphore(%arg10 : memref<!tpu.dma_semaphore, #tpu.memory_space<semaphore_mem>>) src(%dma_wait3A_139 : memref<16x2048xf32, #tpu.memory_space<vmem>>) dst(%dma_wait3A_136 : memref<16x2048xf32, #tpu.memory_space<hbm>>)
    %dma_wait3A_140 = arith.constant 3 : i32
    %dma_wait3A_141 = arith.constant 0 : i32
    %dma_wait3A_142 = arith.constant 0 : i32
    %dma_wait3A_143 = tpu.memref_slice %arg4[%dma_wait3A_141, %dma_wait3A_142] : memref<16x2048xf32, #tpu.memory_space<vmem>> -> memref<16x2048xf32, #tpu.memory_space<vmem>>
    %dma_wait3A_144 = arith.constant 0 : i32
    %dma_wait3A_145 = tpu.memref_slice %arg3[%dma_wait3A_140, %add3A_48, %dma_wait3A_144] : memref<4x4096x2048xf32, #tpu.memory_space<hbm>> -> memref<1x16x2048xf32, #tpu.memory_space<hbm>>
    %dma_wait3A_146 = tpu.memref_squeeze %dma_wait3A_145 : memref<1x16x2048xf32, #tpu.memory_space<hbm>> -> memref<16x2048xf32, #tpu.memory_space<hbm>>
    %dma_wait3A_147 = arith.constant 0 : i32
    %dma_wait3A_148 = tpu.memref_slice %arg3[%dma_wait3A_140, %add3A_48, %dma_wait3A_147] : memref<4x4096x2048xf32, #tpu.memory_space<hbm>> -> memref<1x16x2048xf32, #tpu.memory_space<hbm>>
    %dma_wait3A_149 = tpu.memref_squeeze %dma_wait3A_148 : memref<1x16x2048xf32, #tpu.memory_space<hbm>> -> memref<16x2048xf32, #tpu.memory_space<hbm>>
    %dma_wait3A_150 = arith.constant 0 : i32
    %dma_wait3A_151 = arith.constant 0 : i32
    %dma_wait3A_152 = tpu.memref_slice %arg4[%dma_wait3A_150, %dma_wait3A_151] : memref<16x2048xf32, #tpu.memory_space<vmem>> -> memref<16x2048xf32, #tpu.memory_space<vmem>>
    tpu.wait_dma2 semaphore(%arg10 : memref<!tpu.dma_semaphore, #tpu.memory_space<semaphore_mem>>) src(%dma_wait3A_152 : memref<16x2048xf32, #tpu.memory_space<vmem>>) dst(%dma_wait3A_149 : memref<16x2048xf32, #tpu.memory_space<hbm>>)
    %add3A_153 = arith.constant 48 : i32
    %add3A_154 = arith.addi %mul3A_2, %add3A_153 : i32
    %dma_start3A_155 = arith.constant 0 : i32
    %dma_start3A_156 = arith.constant 0 : i32
    %dma_start3A_157 = tpu.memref_slice %arg4[%dma_start3A_155, %dma_start3A_156] : memref<16x2048xf32, #tpu.memory_space<vmem>> -> memref<16x2048xf32, #tpu.memory_space<vmem>>
    %dma_start3A_158 = arith.constant 0 : i32
    %dma_start3A_159 = tpu.memref_slice %arg2[%add3A_154, %dma_start3A_158] : memref<8192x2048xf32, #tpu.memory_space<hbm>> -> memref<16x2048xf32, #tpu.memory_space<hbm>>
    %dma_start3A_160 = arith.constant 0 : i32
    %dma_start3A_161 = arith.constant 0 : i32
    %dma_start3A_162 = tpu.memref_slice %arg4[%dma_start3A_160, %dma_start3A_161] : memref<16x2048xf32, #tpu.memory_space<vmem>> -> memref<16x2048xf32, #tpu.memory_space<vmem>>
    %dma_start3A_163 = arith.constant 0 : i32
    %dma_start3A_164 = tpu.memref_slice %arg2[%add3A_154, %dma_start3A_163] : memref<8192x2048xf32, #tpu.memory_space<hbm>> -> memref<16x2048xf32, #tpu.memory_space<hbm>>
    tpu.enqueue_dma source(%dma_start3A_164 : memref<16x2048xf32, #tpu.memory_space<hbm>>) target(%dma_start3A_162 : memref<16x2048xf32, #tpu.memory_space<vmem>>) target_semaphore(%arg7 : memref<!tpu.dma_semaphore, #tpu.memory_space<semaphore_mem>>)
    %dma_wait3A_165 = arith.constant 0 : i32
    %dma_wait3A_166 = arith.constant 0 : i32
    %dma_wait3A_167 = tpu.memref_slice %arg5[%dma_wait3A_165, %dma_wait3A_166] : memref<16x2048xf32, #tpu.memory_space<vmem>> -> memref<16x2048xf32, #tpu.memory_space<vmem>>
    %dma_wait3A_168 = arith.constant 0 : i32
    %dma_wait3A_169 = tpu.memref_slice %arg2[%add3A_15, %dma_wait3A_168] : memref<8192x2048xf32, #tpu.memory_space<hbm>> -> memref<16x2048xf32, #tpu.memory_space<hbm>>
    %dma_wait3A_170 = arith.constant 0 : i32
    %dma_wait3A_171 = arith.constant 0 : i32
    %dma_wait3A_172 = tpu.memref_slice %arg5[%dma_wait3A_170, %dma_wait3A_171] : memref<16x2048xf32, #tpu.memory_space<vmem>> -> memref<16x2048xf32, #tpu.memory_space<vmem>>
    %dma_wait3A_173 = arith.constant 0 : i32
    %dma_wait3A_174 = tpu.memref_slice %arg2[%add3A_15, %dma_wait3A_173] : memref<8192x2048xf32, #tpu.memory_space<hbm>> -> memref<16x2048xf32, #tpu.memory_space<hbm>>
    tpu.wait_dma2 semaphore(%arg8 : memref<!tpu.dma_semaphore, #tpu.memory_space<semaphore_mem>>) src(%dma_wait3A_174 : memref<16x2048xf32, #tpu.memory_space<hbm>>) dst(%dma_wait3A_172 : memref<16x2048xf32, #tpu.memory_space<vmem>>)
    %add3A_175 = arith.constant 16 : i32
    %add3A_176 = arith.addi %mul3A_2, %add3A_175 : i32
    %dma_start3A_177 = arith.constant 0 : i32
    %dma_start3A_178 = arith.constant 0 : i32
    %dma_start3A_179 = arith.constant 0 : i32
    %dma_start3A_180 = tpu.memref_slice %arg5[%dma_start3A_178, %dma_start3A_179] : memref<16x2048xf32, #tpu.memory_space<vmem>> -> memref<16x2048xf32, #tpu.memory_space<vmem>>
    %dma_start3A_181 = arith.constant 0 : i32
    %dma_start3A_182 = tpu.memref_slice %arg3[%dma_start3A_177, %add3A_176, %dma_start3A_181] : memref<4x4096x2048xf32, #tpu.memory_space<hbm>> -> memref<1x16x2048xf32, #tpu.memory_space<hbm>>
    %dma_start3A_183 = tpu.memref_squeeze %dma_start3A_182 : memref<1x16x2048xf32, #tpu.memory_space<hbm>> -> memref<16x2048xf32, #tpu.memory_space<hbm>>
    %dma_start3A_184 = arith.constant 0 : i32
    %dma_start3A_185 = tpu.memref_slice %arg3[%dma_start3A_177, %add3A_176, %dma_start3A_184] : memref<4x4096x2048xf32, #tpu.memory_space<hbm>> -> memref<1x16x2048xf32, #tpu.memory_space<hbm>>
    %dma_start3A_186 = tpu.memref_squeeze %dma_start3A_185 : memref<1x16x2048xf32, #tpu.memory_space<hbm>> -> memref<16x2048xf32, #tpu.memory_space<hbm>>
    %dma_start3A_187 = arith.constant 0 : i32
    %dma_start3A_188 = arith.constant 0 : i32
    %dma_start3A_189 = tpu.memref_slice %arg5[%dma_start3A_187, %dma_start3A_188] : memref<16x2048xf32, #tpu.memory_space<vmem>> -> memref<16x2048xf32, #tpu.memory_space<vmem>>
    tpu.enqueue_dma source(%dma_start3A_189 : memref<16x2048xf32, #tpu.memory_space<vmem>>) target(%dma_start3A_186 : memref<16x2048xf32, #tpu.memory_space<hbm>>) target_semaphore(%arg11 : memref<!tpu.dma_semaphore, #tpu.memory_space<semaphore_mem>>)
    %dma_start3A_190 = arith.constant 1 : i32
    %dma_start3A_191 = arith.constant 0 : i32
    %dma_start3A_192 = arith.constant 0 : i32
    %dma_start3A_193 = tpu.memref_slice %arg5[%dma_start3A_191, %dma_start3A_192] : memref<16x2048xf32, #tpu.memory_space<vmem>> -> memref<16x2048xf32, #tpu.memory_space<vmem>>
    %dma_start3A_194 = arith.constant 0 : i32
    %dma_start3A_195 = tpu.memref_slice %arg3[%dma_start3A_190, %add3A_176, %dma_start3A_194] : memref<4x4096x2048xf32, #tpu.memory_space<hbm>> -> memref<1x16x2048xf32, #tpu.memory_space<hbm>>
    %dma_start3A_196 = tpu.memref_squeeze %dma_start3A_195 : memref<1x16x2048xf32, #tpu.memory_space<hbm>> -> memref<16x2048xf32, #tpu.memory_space<hbm>>
    %dma_start3A_197 = arith.constant 0 : i32
    %dma_start3A_198 = tpu.memref_slice %arg3[%dma_start3A_190, %add3A_176, %dma_start3A_197] : memref<4x4096x2048xf32, #tpu.memory_space<hbm>> -> memref<1x16x2048xf32, #tpu.memory_space<hbm>>
    %dma_start3A_199 = tpu.memref_squeeze %dma_start3A_198 : memref<1x16x2048xf32, #tpu.memory_space<hbm>> -> memref<16x2048xf32, #tpu.memory_space<hbm>>
    %dma_start3A_200 = arith.constant 0 : i32
    %dma_start3A_201 = arith.constant 0 : i32
    %dma_start3A_202 = tpu.memref_slice %arg5[%dma_start3A_200, %dma_start3A_201] : memref<16x2048xf32, #tpu.memory_space<vmem>> -> memref<16x2048xf32, #tpu.memory_space<vmem>>
    tpu.enqueue_dma source(%dma_start3A_202 : memref<16x2048xf32, #tpu.memory_space<vmem>>) target(%dma_start3A_199 : memref<16x2048xf32, #tpu.memory_space<hbm>>) target_semaphore(%arg11 : memref<!tpu.dma_semaphore, #tpu.memory_space<semaphore_mem>>)
    %dma_start3A_203 = arith.constant 2 : i32
    %dma_start3A_204 = arith.constant 0 : i32
    %dma_start3A_205 = arith.constant 0 : i32
    %dma_start3A_206 = tpu.memref_slice %arg5[%dma_start3A_204, %dma_start3A_205] : memref<16x2048xf32, #tpu.memory_space<vmem>> -> memref<16x2048xf32, #tpu.memory_space<vmem>>
    %dma_start3A_207 = arith.constant 0 : i32
    %dma_start3A_208 = tpu.memref_slice %arg3[%dma_start3A_203, %add3A_176, %dma_start3A_207] : memref<4x4096x2048xf32, #tpu.memory_space<hbm>> -> memref<1x16x2048xf32, #tpu.memory_space<hbm>>
    %dma_start3A_209 = tpu.memref_squeeze %dma_start3A_208 : memref<1x16x2048xf32, #tpu.memory_space<hbm>> -> memref<16x2048xf32, #tpu.memory_space<hbm>>
    %dma_start3A_210 = arith.constant 0 : i32
    %dma_start3A_211 = tpu.memref_slice %arg3[%dma_start3A_203, %add3A_176, %dma_start3A_210] : memref<4x4096x2048xf32, #tpu.memory_space<hbm>> -> memref<1x16x2048xf32, #tpu.memory_space<hbm>>
    %dma_start3A_212 = tpu.memref_squeeze %dma_start3A_211 : memref<1x16x2048xf32, #tpu.memory_space<hbm>> -> memref<16x2048xf32, #tpu.memory_space<hbm>>
    %dma_start3A_213 = arith.constant 0 : i32
    %dma_start3A_214 = arith.constant 0 : i32
    %dma_start3A_215 = tpu.memref_slice %arg5[%dma_start3A_213, %dma_start3A_214] : memref<16x2048xf32, #tpu.memory_space<vmem>> -> memref<16x2048xf32, #tpu.memory_space<vmem>>
    tpu.enqueue_dma source(%dma_start3A_215 : memref<16x2048xf32, #tpu.memory_space<vmem>>) target(%dma_start3A_212 : memref<16x2048xf32, #tpu.memory_space<hbm>>) target_semaphore(%arg11 : memref<!tpu.dma_semaphore, #tpu.memory_space<semaphore_mem>>)
    %dma_start3A_216 = arith.constant 3 : i32
    %dma_start3A_217 = arith.constant 0 : i32
    %dma_start3A_218 = arith.constant 0 : i32
    %dma_start3A_219 = tpu.memref_slice %arg5[%dma_start3A_217, %dma_start3A_218] : memref<16x2048xf32, #tpu.memory_space<vmem>> -> memref<16x2048xf32, #tpu.memory_space<vmem>>
    %dma_start3A_220 = arith.constant 0 : i32
    %dma_start3A_221 = tpu.memref_slice %arg3[%dma_start3A_216, %add3A_176, %dma_start3A_220] : memref<4x4096x2048xf32, #tpu.memory_space<hbm>> -> memref<1x16x2048xf32, #tpu.memory_space<hbm>>
    %dma_start3A_222 = tpu.memref_squeeze %dma_start3A_221 : memref<1x16x2048xf32, #tpu.memory_space<hbm>> -> memref<16x2048xf32, #tpu.memory_space<hbm>>
    %dma_start3A_223 = arith.constant 0 : i32
    %dma_start3A_224 = tpu.memref_slice %arg3[%dma_start3A_216, %add3A_176, %dma_start3A_223] : memref<4x4096x2048xf32, #tpu.memory_space<hbm>> -> memref<1x16x2048xf32, #tpu.memory_space<hbm>>
    %dma_start3A_225 = tpu.memref_squeeze %dma_start3A_224 : memref<1x16x2048xf32, #tpu.memory_space<hbm>> -> memref<16x2048xf32, #tpu.memory_space<hbm>>
    %dma_start3A_226 = arith.constant 0 : i32
    %dma_start3A_227 = arith.constant 0 : i32
    %dma_start3A_228 = tpu.memref_slice %arg5[%dma_start3A_226, %dma_start3A_227] : memref<16x2048xf32, #tpu.memory_space<vmem>> -> memref<16x2048xf32, #tpu.memory_space<vmem>>
    tpu.enqueue_dma source(%dma_start3A_228 : memref<16x2048xf32, #tpu.memory_space<vmem>>) target(%dma_start3A_225 : memref<16x2048xf32, #tpu.memory_space<hbm>>) target_semaphore(%arg11 : memref<!tpu.dma_semaphore, #tpu.memory_space<semaphore_mem>>)
    %dma_wait3A_229 = arith.constant 0 : i32
    %dma_wait3A_230 = arith.constant 0 : i32
    %dma_wait3A_231 = arith.constant 0 : i32
    %dma_wait3A_232 = tpu.memref_slice %arg5[%dma_wait3A_230, %dma_wait3A_231] : memref<16x2048xf32, #tpu.memory_space<vmem>> -> memref<16x2048xf32, #tpu.memory_space<vmem>>
    %dma_wait3A_233 = arith.constant 0 : i32
    %dma_wait3A_234 = tpu.memref_slice %arg3[%dma_wait3A_229, %add3A_176, %dma_wait3A_233] : memref<4x4096x2048xf32, #tpu.memory_space<hbm>> -> memref<1x16x2048xf32, #tpu.memory_space<hbm>>
    %dma_wait3A_235 = tpu.memref_squeeze %dma_wait3A_234 : memref<1x16x2048xf32, #tpu.memory_space<hbm>> -> memref<16x2048xf32, #tpu.memory_space<hbm>>
    %dma_wait3A_236 = arith.constant 0 : i32
    %dma_wait3A_237 = tpu.memref_slice %arg3[%dma_wait3A_229, %add3A_176, %dma_wait3A_236] : memref<4x4096x2048xf32, #tpu.memory_space<hbm>> -> memref<1x16x2048xf32, #tpu.memory_space<hbm>>
    %dma_wait3A_238 = tpu.memref_squeeze %dma_wait3A_237 : memref<1x16x2048xf32, #tpu.memory_space<hbm>> -> memref<16x2048xf32, #tpu.memory_space<hbm>>
    %dma_wait3A_239 = arith.constant 0 : i32
    %dma_wait3A_240 = arith.constant 0 : i32
    %dma_wait3A_241 = tpu.memref_slice %arg5[%dma_wait3A_239, %dma_wait3A_240] : memref<16x2048xf32, #tpu.memory_space<vmem>> -> memref<16x2048xf32, #tpu.memory_space<vmem>>
    tpu.wait_dma2 semaphore(%arg11 : memref<!tpu.dma_semaphore, #tpu.memory_space<semaphore_mem>>) src(%dma_wait3A_241 : memref<16x2048xf32, #tpu.memory_space<vmem>>) dst(%dma_wait3A_238 : memref<16x2048xf32, #tpu.memory_space<hbm>>)
    %dma_wait3A_242 = arith.constant 1 : i32
    %dma_wait3A_243 = arith.constant 0 : i32
    %dma_wait3A_244 = arith.constant 0 : i32
    %dma_wait3A_245 = tpu.memref_slice %arg5[%dma_wait3A_243, %dma_wait3A_244] : memref<16x2048xf32, #tpu.memory_space<vmem>> -> memref<16x2048xf32, #tpu.memory_space<vmem>>
    %dma_wait3A_246 = arith.constant 0 : i32
    %dma_wait3A_247 = tpu.memref_slice %arg3[%dma_wait3A_242, %add3A_176, %dma_wait3A_246] : memref<4x4096x2048xf32, #tpu.memory_space<hbm>> -> memref<1x16x2048xf32, #tpu.memory_space<hbm>>
    %dma_wait3A_248 = tpu.memref_squeeze %dma_wait3A_247 : memref<1x16x2048xf32, #tpu.memory_space<hbm>> -> memref<16x2048xf32, #tpu.memory_space<hbm>>
    %dma_wait3A_249 = arith.constant 0 : i32
    %dma_wait3A_250 = tpu.memref_slice %arg3[%dma_wait3A_242, %add3A_176, %dma_wait3A_249] : memref<4x4096x2048xf32, #tpu.memory_space<hbm>> -> memref<1x16x2048xf32, #tpu.memory_space<hbm>>
    %dma_wait3A_251 = tpu.memref_squeeze %dma_wait3A_250 : memref<1x16x2048xf32, #tpu.memory_space<hbm>> -> memref<16x2048xf32, #tpu.memory_space<hbm>>
    %dma_wait3A_252 = arith.constant 0 : i32
    %dma_wait3A_253 = arith.constant 0 : i32
    %dma_wait3A_254 = tpu.memref_slice %arg5[%dma_wait3A_252, %dma_wait3A_253] : memref<16x2048xf32, #tpu.memory_space<vmem>> -> memref<16x2048xf32, #tpu.memory_space<vmem>>
    tpu.wait_dma2 semaphore(%arg11 : memref<!tpu.dma_semaphore, #tpu.memory_space<semaphore_mem>>) src(%dma_wait3A_254 : memref<16x2048xf32, #tpu.memory_space<vmem>>) dst(%dma_wait3A_251 : memref<16x2048xf32, #tpu.memory_space<hbm>>)
    %dma_wait3A_255 = arith.constant 2 : i32
    %dma_wait3A_256 = arith.constant 0 : i32
    %dma_wait3A_257 = arith.constant 0 : i32
    %dma_wait3A_258 = tpu.memref_slice %arg5[%dma_wait3A_256, %dma_wait3A_257] : memref<16x2048xf32, #tpu.memory_space<vmem>> -> memref<16x2048xf32, #tpu.memory_space<vmem>>
    %dma_wait3A_259 = arith.constant 0 : i32
    %dma_wait3A_260 = tpu.memref_slice %arg3[%dma_wait3A_255, %add3A_176, %dma_wait3A_259] : memref<4x4096x2048xf32, #tpu.memory_space<hbm>> -> memref<1x16x2048xf32, #tpu.memory_space<hbm>>
    %dma_wait3A_261 = tpu.memref_squeeze %dma_wait3A_260 : memref<1x16x2048xf32, #tpu.memory_space<hbm>> -> memref<16x2048xf32, #tpu.memory_space<hbm>>
    %dma_wait3A_262 = arith.constant 0 : i32
    %dma_wait3A_263 = tpu.memref_slice %arg3[%dma_wait3A_255, %add3A_176, %dma_wait3A_262] : memref<4x4096x2048xf32, #tpu.memory_space<hbm>> -> memref<1x16x2048xf32, #tpu.memory_space<hbm>>
    %dma_wait3A_264 = tpu.memref_squeeze %dma_wait3A_263 : memref<1x16x2048xf32, #tpu.memory_space<hbm>> -> memref<16x2048xf32, #tpu.memory_space<hbm>>
    %dma_wait3A_265 = arith.constant 0 : i32
    %dma_wait3A_266 = arith.constant 0 : i32
    %dma_wait3A_267 = tpu.memref_slice %arg5[%dma_wait3A_265, %dma_wait3A_266] : memref<16x2048xf32, #tpu.memory_space<vmem>> -> memref<16x2048xf32, #tpu.memory_space<vmem>>
    tpu.wait_dma2 semaphore(%arg11 : memref<!tpu.dma_semaphore, #tpu.memory_space<semaphore_mem>>) src(%dma_wait3A_267 : memref<16x2048xf32, #tpu.memory_space<vmem>>) dst(%dma_wait3A_264 : memref<16x2048xf32, #tpu.memory_space<hbm>>)
    %dma_wait3A_268 = arith.constant 3 : i32
    %dma_wait3A_269 = arith.constant 0 : i32
    %dma_wait3A_270 = arith.constant 0 : i32
    %dma_wait3A_271 = tpu.memref_slice %arg5[%dma_wait3A_269, %dma_wait3A_270] : memref<16x2048xf32, #tpu.memory_space<vmem>> -> memref<16x2048xf32, #tpu.memory_space<vmem>>
    %dma_wait3A_272 = arith.constant 0 : i32
    %dma_wait3A_273 = tpu.memref_slice %arg3[%dma_wait3A_268, %add3A_176, %dma_wait3A_272] : memref<4x4096x2048xf32, #tpu.memory_space<hbm>> -> memref<1x16x2048xf32, #tpu.memory_space<hbm>>
    %dma_wait3A_274 = tpu.memref_squeeze %dma_wait3A_273 : memref<1x16x2048xf32, #tpu.memory_space<hbm>> -> memref<16x2048xf32, #tpu.memory_space<hbm>>
    %dma_wait3A_275 = arith.constant 0 : i32
    %dma_wait3A_276 = tpu.memref_slice %arg3[%dma_wait3A_268, %add3A_176, %dma_wait3A_275] : memref<4x4096x2048xf32, #tpu.memory_space<hbm>> -> memref<1x16x2048xf32, #tpu.memory_space<hbm>>
    %dma_wait3A_277 = tpu.memref_squeeze %dma_wait3A_276 : memref<1x16x2048xf32, #tpu.memory_space<hbm>> -> memref<16x2048xf32, #tpu.memory_space<hbm>>
    %dma_wait3A_278 = arith.constant 0 : i32
    %dma_wait3A_279 = arith.constant 0 : i32
    %dma_wait3A_280 = tpu.memref_slice %arg5[%dma_wait3A_278, %dma_wait3A_279] : memref<16x2048xf32, #tpu.memory_space<vmem>> -> memref<16x2048xf32, #tpu.memory_space<vmem>>
    tpu.wait_dma2 semaphore(%arg11 : memref<!tpu.dma_semaphore, #tpu.memory_space<semaphore_mem>>) src(%dma_wait3A_280 : memref<16x2048xf32, #tpu.memory_space<vmem>>) dst(%dma_wait3A_277 : memref<16x2048xf32, #tpu.memory_space<hbm>>)
    %add3A_281 = arith.constant 64 : i32
    %add3A_282 = arith.addi %mul3A_2, %add3A_281 : i32
    %dma_start3A_283 = arith.constant 0 : i32
    %dma_start3A_284 = arith.constant 0 : i32
    %dma_start3A_285 = tpu.memref_slice %arg5[%dma_start3A_283, %dma_start3A_284] : memref<16x2048xf32, #tpu.memory_space<vmem>> -> memref<16x2048xf32, #tpu.memory_space<vmem>>
    %dma_start3A_286 = arith.constant 0 : i32
    %dma_start3A_287 = tpu.memref_slice %arg2[%add3A_282, %dma_start3A_286] : memref<8192x2048xf32, #tpu.memory_space<hbm>> -> memref<16x2048xf32, #tpu.memory_space<hbm>>
    %dma_start3A_288 = arith.constant 0 : i32
    %dma_start3A_289 = arith.constant 0 : i32
    %dma_start3A_290 = tpu.memref_slice %arg5[%dma_start3A_288, %dma_start3A_289] : memref<16x2048xf32, #tpu.memory_space<vmem>> -> memref<16x2048xf32, #tpu.memory_space<vmem>>
    %dma_start3A_291 = arith.constant 0 : i32
    %dma_start3A_292 = tpu.memref_slice %arg2[%add3A_282, %dma_start3A_291] : memref<8192x2048xf32, #tpu.memory_space<hbm>> -> memref<16x2048xf32, #tpu.memory_space<hbm>>
    tpu.enqueue_dma source(%dma_start3A_292 : memref<16x2048xf32, #tpu.memory_space<hbm>>) target(%dma_start3A_290 : memref<16x2048xf32, #tpu.memory_space<vmem>>) target_semaphore(%arg8 : memref<!tpu.dma_semaphore, #tpu.memory_space<semaphore_mem>>)
    %dma_wait3A_293 = arith.constant 0 : i32
    %dma_wait3A_294 = arith.constant 0 : i32
    %dma_wait3A_295 = tpu.memref_slice %arg6[%dma_wait3A_293, %dma_wait3A_294] : memref<16x2048xf32, #tpu.memory_space<vmem>> -> memref<16x2048xf32, #tpu.memory_space<vmem>>
    %dma_wait3A_296 = arith.constant 0 : i32
    %dma_wait3A_297 = tpu.memref_slice %arg2[%add3A_27, %dma_wait3A_296] : memref<8192x2048xf32, #tpu.memory_space<hbm>> -> memref<16x2048xf32, #tpu.memory_space<hbm>>
    %dma_wait3A_298 = arith.constant 0 : i32
    %dma_wait3A_299 = arith.constant 0 : i32
    %dma_wait3A_300 = tpu.memref_slice %arg6[%dma_wait3A_298, %dma_wait3A_299] : memref<16x2048xf32, #tpu.memory_space<vmem>> -> memref<16x2048xf32, #tpu.memory_space<vmem>>
    %dma_wait3A_301 = arith.constant 0 : i32
    %dma_wait3A_302 = tpu.memref_slice %arg2[%add3A_27, %dma_wait3A_301] : memref<8192x2048xf32, #tpu.memory_space<hbm>> -> memref<16x2048xf32, #tpu.memory_space<hbm>>
    tpu.wait_dma2 semaphore(%arg9 : memref<!tpu.dma_semaphore, #tpu.memory_space<semaphore_mem>>) src(%dma_wait3A_302 : memref<16x2048xf32, #tpu.memory_space<hbm>>) dst(%dma_wait3A_300 : memref<16x2048xf32, #tpu.memory_space<vmem>>)
    %add3A_303 = arith.constant 32 : i32
    %add3A_304 = arith.addi %mul3A_2, %add3A_303 : i32
    %dma_start3A_305 = arith.constant 0 : i32
    %dma_start3A_306 = arith.constant 0 : i32
    %dma_start3A_307 = arith.constant 0 : i32
    %dma_start3A_308 = tpu.memref_slice %arg6[%dma_start3A_306, %dma_start3A_307] : memref<16x2048xf32, #tpu.memory_space<vmem>> -> memref<16x2048xf32, #tpu.memory_space<vmem>>
    %dma_start3A_309 = arith.constant 0 : i32
    %dma_start3A_310 = tpu.memref_slice %arg3[%dma_start3A_305, %add3A_304, %dma_start3A_309] : memref<4x4096x2048xf32, #tpu.memory_space<hbm>> -> memref<1x16x2048xf32, #tpu.memory_space<hbm>>
    %dma_start3A_311 = tpu.memref_squeeze %dma_start3A_310 : memref<1x16x2048xf32, #tpu.memory_space<hbm>> -> memref<16x2048xf32, #tpu.memory_space<hbm>>
    %dma_start3A_312 = arith.constant 0 : i32
    %dma_start3A_313 = tpu.memref_slice %arg3[%dma_start3A_305, %add3A_304, %dma_start3A_312] : memref<4x4096x2048xf32, #tpu.memory_space<hbm>> -> memref<1x16x2048xf32, #tpu.memory_space<hbm>>
    %dma_start3A_314 = tpu.memref_squeeze %dma_start3A_313 : memref<1x16x2048xf32, #tpu.memory_space<hbm>> -> memref<16x2048xf32, #tpu.memory_space<hbm>>
    %dma_start3A_315 = arith.constant 0 : i32
    %dma_start3A_316 = arith.constant 0 : i32
    %dma_start3A_317 = tpu.memref_slice %arg6[%dma_start3A_315, %dma_start3A_316] : memref<16x2048xf32, #tpu.memory_space<vmem>> -> memref<16x2048xf32, #tpu.memory_space<vmem>>
    tpu.enqueue_dma source(%dma_start3A_317 : memref<16x2048xf32, #tpu.memory_space<vmem>>) target(%dma_start3A_314 : memref<16x2048xf32, #tpu.memory_space<hbm>>) target_semaphore(%arg12 : memref<!tpu.dma_semaphore, #tpu.memory_space<semaphore_mem>>)
    %dma_start3A_318 = arith.constant 1 : i32
    %dma_start3A_319 = arith.constant 0 : i32
    %dma_start3A_320 = arith.constant 0 : i32
    %dma_start3A_321 = tpu.memref_slice %arg6[%dma_start3A_319, %dma_start3A_320] : memref<16x2048xf32, #tpu.memory_space<vmem>> -> memref<16x2048xf32, #tpu.memory_space<vmem>>
    %dma_start3A_322 = arith.constant 0 : i32
    %dma_start3A_323 = tpu.memref_slice %arg3[%dma_start3A_318, %add3A_304, %dma_start3A_322] : memref<4x4096x2048xf32, #tpu.memory_space<hbm>> -> memref<1x16x2048xf32, #tpu.memory_space<hbm>>
    %dma_start3A_324 = tpu.memref_squeeze %dma_start3A_323 : memref<1x16x2048xf32, #tpu.memory_space<hbm>> -> memref<16x2048xf32, #tpu.memory_space<hbm>>
    %dma_start3A_325 = arith.constant 0 : i32
    %dma_start3A_326 = tpu.memref_slice %arg3[%dma_start3A_318, %add3A_304, %dma_start3A_325] : memref<4x4096x2048xf32, #tpu.memory_space<hbm>> -> memref<1x16x2048xf32, #tpu.memory_space<hbm>>
    %dma_start3A_327 = tpu.memref_squeeze %dma_start3A_326 : memref<1x16x2048xf32, #tpu.memory_space<hbm>> -> memref<16x2048xf32, #tpu.memory_space<hbm>>
    %dma_start3A_328 = arith.constant 0 : i32
    %dma_start3A_329 = arith.constant 0 : i32
    %dma_start3A_330 = tpu.memref_slice %arg6[%dma_start3A_328, %dma_start3A_329] : memref<16x2048xf32, #tpu.memory_space<vmem>> -> memref<16x2048xf32, #tpu.memory_space<vmem>>
    tpu.enqueue_dma source(%dma_start3A_330 : memref<16x2048xf32, #tpu.memory_space<vmem>>) target(%dma_start3A_327 : memref<16x2048xf32, #tpu.memory_space<hbm>>) target_semaphore(%arg12 : memref<!tpu.dma_semaphore, #tpu.memory_space<semaphore_mem>>)
    %dma_start3A_331 = arith.constant 2 : i32
    %dma_start3A_332 = arith.constant 0 : i32
    %dma_start3A_333 = arith.constant 0 : i32
    %dma_start3A_334 = tpu.memref_slice %arg6[%dma_start3A_332, %dma_start3A_333] : memref<16x2048xf32, #tpu.memory_space<vmem>> -> memref<16x2048xf32, #tpu.memory_space<vmem>>
    %dma_start3A_335 = arith.constant 0 : i32
    %dma_start3A_336 = tpu.memref_slice %arg3[%dma_start3A_331, %add3A_304, %dma_start3A_335] : memref<4x4096x2048xf32, #tpu.memory_space<hbm>> -> memref<1x16x2048xf32, #tpu.memory_space<hbm>>
    %dma_start3A_337 = tpu.memref_squeeze %dma_start3A_336 : memref<1x16x2048xf32, #tpu.memory_space<hbm>> -> memref<16x2048xf32, #tpu.memory_space<hbm>>
    %dma_start3A_338 = arith.constant 0 : i32
    %dma_start3A_339 = tpu.memref_slice %arg3[%dma_start3A_331, %add3A_304, %dma_start3A_338] : memref<4x4096x2048xf32, #tpu.memory_space<hbm>> -> memref<1x16x2048xf32, #tpu.memory_space<hbm>>
    %dma_start3A_340 = tpu.memref_squeeze %dma_start3A_339 : memref<1x16x2048xf32, #tpu.memory_space<hbm>> -> memref<16x2048xf32, #tpu.memory_space<hbm>>
    %dma_start3A_341 = arith.constant 0 : i32
    %dma_start3A_342 = arith.constant 0 : i32
    %dma_start3A_343 = tpu.memref_slice %arg6[%dma_start3A_341, %dma_start3A_342] : memref<16x2048xf32, #tpu.memory_space<vmem>> -> memref<16x2048xf32, #tpu.memory_space<vmem>>
    tpu.enqueue_dma source(%dma_start3A_343 : memref<16x2048xf32, #tpu.memory_space<vmem>>) target(%dma_start3A_340 : memref<16x2048xf32, #tpu.memory_space<hbm>>) target_semaphore(%arg12 : memref<!tpu.dma_semaphore, #tpu.memory_space<semaphore_mem>>)
    %dma_start3A_344 = arith.constant 3 : i32
    %dma_start3A_345 = arith.constant 0 : i32
    %dma_start3A_346 = arith.constant 0 : i32
    %dma_start3A_347 = tpu.memref_slice %arg6[%dma_start3A_345, %dma_start3A_346] : memref<16x2048xf32, #tpu.memory_space<vmem>> -> memref<16x2048xf32, #tpu.memory_space<vmem>>
    %dma_start3A_348 = arith.constant 0 : i32
    %dma_start3A_349 = tpu.memref_slice %arg3[%dma_start3A_344, %add3A_304, %dma_start3A_348] : memref<4x4096x2048xf32, #tpu.memory_space<hbm>> -> memref<1x16x2048xf32, #tpu.memory_space<hbm>>
    %dma_start3A_350 = tpu.memref_squeeze %dma_start3A_349 : memref<1x16x2048xf32, #tpu.memory_space<hbm>> -> memref<16x2048xf32, #tpu.memory_space<hbm>>
    %dma_start3A_351 = arith.constant 0 : i32
    %dma_start3A_352 = tpu.memref_slice %arg3[%dma_start3A_344, %add3A_304, %dma_start3A_351] : memref<4x4096x2048xf32, #tpu.memory_space<hbm>> -> memref<1x16x2048xf32, #tpu.memory_space<hbm>>
    %dma_start3A_353 = tpu.memref_squeeze %dma_start3A_352 : memref<1x16x2048xf32, #tpu.memory_space<hbm>> -> memref<16x2048xf32, #tpu.memory_space<hbm>>
    %dma_start3A_354 = arith.constant 0 : i32
    %dma_start3A_355 = arith.constant 0 : i32
    %dma_start3A_356 = tpu.memref_slice %arg6[%dma_start3A_354, %dma_start3A_355] : memref<16x2048xf32, #tpu.memory_space<vmem>> -> memref<16x2048xf32, #tpu.memory_space<vmem>>
    tpu.enqueue_dma source(%dma_start3A_356 : memref<16x2048xf32, #tpu.memory_space<vmem>>) target(%dma_start3A_353 : memref<16x2048xf32, #tpu.memory_space<hbm>>) target_semaphore(%arg12 : memref<!tpu.dma_semaphore, #tpu.memory_space<semaphore_mem>>)
    %dma_wait3A_357 = arith.constant 0 : i32
    %dma_wait3A_358 = arith.constant 0 : i32
    %dma_wait3A_359 = arith.constant 0 : i32
    %dma_wait3A_360 = tpu.memref_slice %arg6[%dma_wait3A_358, %dma_wait3A_359] : memref<16x2048xf32, #tpu.memory_space<vmem>> -> memref<16x2048xf32, #tpu.memory_space<vmem>>
    %dma_wait3A_361 = arith.constant 0 : i32
    %dma_wait3A_362 = tpu.memref_slice %arg3[%dma_wait3A_357, %add3A_304, %dma_wait3A_361] : memref<4x4096x2048xf32, #tpu.memory_space<hbm>> -> memref<1x16x2048xf32, #tpu.memory_space<hbm>>
    %dma_wait3A_363 = tpu.memref_squeeze %dma_wait3A_362 : memref<1x16x2048xf32, #tpu.memory_space<hbm>> -> memref<16x2048xf32, #tpu.memory_space<hbm>>
    %dma_wait3A_364 = arith.constant 0 : i32
    %dma_wait3A_365 = tpu.memref_slice %arg3[%dma_wait3A_357, %add3A_304, %dma_wait3A_364] : memref<4x4096x2048xf32, #tpu.memory_space<hbm>> -> memref<1x16x2048xf32, #tpu.memory_space<hbm>>
    %dma_wait3A_366 = tpu.memref_squeeze %dma_wait3A_365 : memref<1x16x2048xf32, #tpu.memory_space<hbm>> -> memref<16x2048xf32, #tpu.memory_space<hbm>>
    %dma_wait3A_367 = arith.constant 0 : i32
    %dma_wait3A_368 = arith.constant 0 : i32
    %dma_wait3A_369 = tpu.memref_slice %arg6[%dma_wait3A_367, %dma_wait3A_368] : memref<16x2048xf32, #tpu.memory_space<vmem>> -> memref<16x2048xf32, #tpu.memory_space<vmem>>
    tpu.wait_dma2 semaphore(%arg12 : memref<!tpu.dma_semaphore, #tpu.memory_space<semaphore_mem>>) src(%dma_wait3A_369 : memref<16x2048xf32, #tpu.memory_space<vmem>>) dst(%dma_wait3A_366 : memref<16x2048xf32, #tpu.memory_space<hbm>>)
    %dma_wait3A_370 = arith.constant 1 : i32
    %dma_wait3A_371 = arith.constant 0 : i32
    %dma_wait3A_372 = arith.constant 0 : i32
    %dma_wait3A_373 = tpu.memref_slice %arg6[%dma_wait3A_371, %dma_wait3A_372] : memref<16x2048xf32, #tpu.memory_space<vmem>> -> memref<16x2048xf32, #tpu.memory_space<vmem>>
    %dma_wait3A_374 = arith.constant 0 : i32
    %dma_wait3A_375 = tpu.memref_slice %arg3[%dma_wait3A_370, %add3A_304, %dma_wait3A_374] : memref<4x4096x2048xf32, #tpu.memory_space<hbm>> -> memref<1x16x2048xf32, #tpu.memory_space<hbm>>
    %dma_wait3A_376 = tpu.memref_squeeze %dma_wait3A_375 : memref<1x16x2048xf32, #tpu.memory_space<hbm>> -> memref<16x2048xf32, #tpu.memory_space<hbm>>
    %dma_wait3A_377 = arith.constant 0 : i32
    %dma_wait3A_378 = tpu.memref_slice %arg3[%dma_wait3A_370, %add3A_304, %dma_wait3A_377] : memref<4x4096x2048xf32, #tpu.memory_space<hbm>> -> memref<1x16x2048xf32, #tpu.memory_space<hbm>>
    %dma_wait3A_379 = tpu.memref_squeeze %dma_wait3A_378 : memref<1x16x2048xf32, #tpu.memory_space<hbm>> -> memref<16x2048xf32, #tpu.memory_space<hbm>>
    %dma_wait3A_380 = arith.constant 0 : i32
    %dma_wait3A_381 = arith.constant 0 : i32
    %dma_wait3A_382 = tpu.memref_slice %arg6[%dma_wait3A_380, %dma_wait3A_381] : memref<16x2048xf32, #tpu.memory_space<vmem>> -> memref<16x2048xf32, #tpu.memory_space<vmem>>
    tpu.wait_dma2 semaphore(%arg12 : memref<!tpu.dma_semaphore, #tpu.memory_space<semaphore_mem>>) src(%dma_wait3A_382 : memref<16x2048xf32, #tpu.memory_space<vmem>>) dst(%dma_wait3A_379 : memref<16x2048xf32, #tpu.memory_space<hbm>>)
    %dma_wait3A_383 = arith.constant 2 : i32
    %dma_wait3A_384 = arith.constant 0 : i32
    %dma_wait3A_385 = arith.constant 0 : i32
    %dma_wait3A_386 = tpu.memref_slice %arg6[%dma_wait3A_384, %dma_wait3A_385] : memref<16x2048xf32, #tpu.memory_space<vmem>> -> memref<16x2048xf32, #tpu.memory_space<vmem>>
    %dma_wait3A_387 = arith.constant 0 : i32
    %dma_wait3A_388 = tpu.memref_slice %arg3[%dma_wait3A_383, %add3A_304, %dma_wait3A_387] : memref<4x4096x2048xf32, #tpu.memory_space<hbm>> -> memref<1x16x2048xf32, #tpu.memory_space<hbm>>
    %dma_wait3A_389 = tpu.memref_squeeze %dma_wait3A_388 : memref<1x16x2048xf32, #tpu.memory_space<hbm>> -> memref<16x2048xf32, #tpu.memory_space<hbm>>
    %dma_wait3A_390 = arith.constant 0 : i32
    %dma_wait3A_391 = tpu.memref_slice %arg3[%dma_wait3A_383, %add3A_304, %dma_wait3A_390] : memref<4x4096x2048xf32, #tpu.memory_space<hbm>> -> memref<1x16x2048xf32, #tpu.memory_space<hbm>>
    %dma_wait3A_392 = tpu.memref_squeeze %dma_wait3A_391 : memref<1x16x2048xf32, #tpu.memory_space<hbm>> -> memref<16x2048xf32, #tpu.memory_space<hbm>>
    %dma_wait3A_393 = arith.constant 0 : i32
    %dma_wait3A_394 = arith.constant 0 : i32
    %dma_wait3A_395 = tpu.memref_slice %arg6[%dma_wait3A_393, %dma_wait3A_394] : memref<16x2048xf32, #tpu.memory_space<vmem>> -> memref<16x2048xf32, #tpu.memory_space<vmem>>
    tpu.wait_dma2 semaphore(%arg12 : memref<!tpu.dma_semaphore, #tpu.memory_space<semaphore_mem>>) src(%dma_wait3A_395 : memref<16x2048xf32, #tpu.memory_space<vmem>>) dst(%dma_wait3A_392 : memref<16x2048xf32, #tpu.memory_space<hbm>>)
    %dma_wait3A_396 = arith.constant 3 : i32
    %dma_wait3A_397 = arith.constant 0 : i32
    %dma_wait3A_398 = arith.constant 0 : i32
    %dma_wait3A_399 = tpu.memref_slice %arg6[%dma_wait3A_397, %dma_wait3A_398] : memref<16x2048xf32, #tpu.memory_space<vmem>> -> memref<16x2048xf32, #tpu.memory_space<vmem>>
    %dma_wait3A_400 = arith.constant 0 : i32
    %dma_wait3A_401 = tpu.memref_slice %arg3[%dma_wait3A_396, %add3A_304, %dma_wait3A_400] : memref<4x4096x2048xf32, #tpu.memory_space<hbm>> -> memref<1x16x2048xf32, #tpu.memory_space<hbm>>
    %dma_wait3A_402 = tpu.memref_squeeze %dma_wait3A_401 : memref<1x16x2048xf32, #tpu.memory_space<hbm>> -> memref<16x2048xf32, #tpu.memory_space<hbm>>
    %dma_wait3A_403 = arith.constant 0 : i32
    %dma_wait3A_404 = tpu.memref_slice %arg3[%dma_wait3A_396, %add3A_304, %dma_wait3A_403] : memref<4x4096x2048xf32, #tpu.memory_space<hbm>> -> memref<1x16x2048xf32, #tpu.memory_space<hbm>>
    %dma_wait3A_405 = tpu.memref_squeeze %dma_wait3A_404 : memref<1x16x2048xf32, #tpu.memory_space<hbm>> -> memref<16x2048xf32, #tpu.memory_space<hbm>>
    %dma_wait3A_406 = arith.constant 0 : i32
    %dma_wait3A_407 = arith.constant 0 : i32
    %dma_wait3A_408 = tpu.memref_slice %arg6[%dma_wait3A_406, %dma_wait3A_407] : memref<16x2048xf32, #tpu.memory_space<vmem>> -> memref<16x2048xf32, #tpu.memory_space<vmem>>
    tpu.wait_dma2 semaphore(%arg12 : memref<!tpu.dma_semaphore, #tpu.memory_space<semaphore_mem>>) src(%dma_wait3A_408 : memref<16x2048xf32, #tpu.memory_space<vmem>>) dst(%dma_wait3A_405 : memref<16x2048xf32, #tpu.memory_space<hbm>>)
    %add3A_409 = arith.constant 80 : i32
    %add3A_410 = arith.addi %mul3A_2, %add3A_409 : i32
    %dma_start3A_411 = arith.constant 0 : i32
    %dma_start3A_412 = arith.constant 0 : i32
    %dma_start3A_413 = tpu.memref_slice %arg6[%dma_start3A_411, %dma_start3A_412] : memref<16x2048xf32, #tpu.memory_space<vmem>> -> memref<16x2048xf32, #tpu.memory_space<vmem>>
    %dma_start3A_414 = arith.constant 0 : i32
    %dma_start3A_415 = tpu.memref_slice %arg2[%add3A_410, %dma_start3A_414] : memref<8192x2048xf32, #tpu.memory_space<hbm>> -> memref<16x2048xf32, #tpu.memory_space<hbm>>
    %dma_start3A_416 = arith.constant 0 : i32
    %dma_start3A_417 = arith.constant 0 : i32
    %dma_start3A_418 = tpu.memref_slice %arg6[%dma_start3A_416, %dma_start3A_417] : memref<16x2048xf32, #tpu.memory_space<vmem>> -> memref<16x2048xf32, #tpu.memory_space<vmem>>
    %dma_start3A_419 = arith.constant 0 : i32
    %dma_start3A_420 = tpu.memref_slice %arg2[%add3A_410, %dma_start3A_419] : memref<8192x2048xf32, #tpu.memory_space<hbm>> -> memref<16x2048xf32, #tpu.memory_space<hbm>>
    tpu.enqueue_dma source(%dma_start3A_420 : memref<16x2048xf32, #tpu.memory_space<hbm>>) target(%dma_start3A_418 : memref<16x2048xf32, #tpu.memory_space<vmem>>) target_semaphore(%arg9 : memref<!tpu.dma_semaphore, #tpu.memory_space<semaphore_mem>>)
    %dma_wait3A_421 = arith.constant 0 : i32
    %dma_wait3A_422 = arith.constant 0 : i32
    %dma_wait3A_423 = tpu.memref_slice %arg4[%dma_wait3A_421, %dma_wait3A_422] : memref<16x2048xf32, #tpu.memory_space<vmem>> -> memref<16x2048xf32, #tpu.memory_space<vmem>>
    %dma_wait3A_424 = arith.constant 0 : i32
    %dma_wait3A_425 = tpu.memref_slice %arg2[%add3A_154, %dma_wait3A_424] : memref<8192x2048xf32, #tpu.memory_space<hbm>> -> memref<16x2048xf32, #tpu.memory_space<hbm>>
    %dma_wait3A_426 = arith.constant 0 : i32
    %dma_wait3A_427 = arith.constant 0 : i32
    %dma_wait3A_428 = tpu.memref_slice %arg4[%dma_wait3A_426, %dma_wait3A_427] : memref<16x2048xf32, #tpu.memory_space<vmem>> -> memref<16x2048xf32, #tpu.memory_space<vmem>>
    %dma_wait3A_429 = arith.constant 0 : i32
    %dma_wait3A_430 = tpu.memref_slice %arg2[%add3A_154, %dma_wait3A_429] : memref<8192x2048xf32, #tpu.memory_space<hbm>> -> memref<16x2048xf32, #tpu.memory_space<hbm>>
    tpu.wait_dma2 semaphore(%arg7 : memref<!tpu.dma_semaphore, #tpu.memory_space<semaphore_mem>>) src(%dma_wait3A_430 : memref<16x2048xf32, #tpu.memory_space<hbm>>) dst(%dma_wait3A_428 : memref<16x2048xf32, #tpu.memory_space<vmem>>)
    %add3A_431 = arith.constant 48 : i32
    %add3A_432 = arith.addi %mul3A_2, %add3A_431 : i32
    %dma_start3A_433 = arith.constant 0 : i32
    %dma_start3A_434 = arith.constant 0 : i32
    %dma_start3A_435 = arith.constant 0 : i32
    %dma_start3A_436 = tpu.memref_slice %arg4[%dma_start3A_434, %dma_start3A_435] : memref<16x2048xf32, #tpu.memory_space<vmem>> -> memref<16x2048xf32, #tpu.memory_space<vmem>>
    %dma_start3A_437 = arith.constant 0 : i32
    %dma_start3A_438 = tpu.memref_slice %arg3[%dma_start3A_433, %add3A_432, %dma_start3A_437] : memref<4x4096x2048xf32, #tpu.memory_space<hbm>> -> memref<1x16x2048xf32, #tpu.memory_space<hbm>>
    %dma_start3A_439 = tpu.memref_squeeze %dma_start3A_438 : memref<1x16x2048xf32, #tpu.memory_space<hbm>> -> memref<16x2048xf32, #tpu.memory_space<hbm>>
    %dma_start3A_440 = arith.constant 0 : i32
    %dma_start3A_441 = tpu.memref_slice %arg3[%dma_start3A_433, %add3A_432, %dma_start3A_440] : memref<4x4096x2048xf32, #tpu.memory_space<hbm>> -> memref<1x16x2048xf32, #tpu.memory_space<hbm>>
    %dma_start3A_442 = tpu.memref_squeeze %dma_start3A_441 : memref<1x16x2048xf32, #tpu.memory_space<hbm>> -> memref<16x2048xf32, #tpu.memory_space<hbm>>
    %dma_start3A_443 = arith.constant 0 : i32
    %dma_start3A_444 = arith.constant 0 : i32
    %dma_start3A_445 = tpu.memref_slice %arg4[%dma_start3A_443, %dma_start3A_444] : memref<16x2048xf32, #tpu.memory_space<vmem>> -> memref<16x2048xf32, #tpu.memory_space<vmem>>
    tpu.enqueue_dma source(%dma_start3A_445 : memref<16x2048xf32, #tpu.memory_space<vmem>>) target(%dma_start3A_442 : memref<16x2048xf32, #tpu.memory_space<hbm>>) target_semaphore(%arg10 : memref<!tpu.dma_semaphore, #tpu.memory_space<semaphore_mem>>)
    %dma_start3A_446 = arith.constant 1 : i32
    %dma_start3A_447 = arith.constant 0 : i32
    %dma_start3A_448 = arith.constant 0 : i32
    %dma_start3A_449 = tpu.memref_slice %arg4[%dma_start3A_447, %dma_start3A_448] : memref<16x2048xf32, #tpu.memory_space<vmem>> -> memref<16x2048xf32, #tpu.memory_space<vmem>>
    %dma_start3A_450 = arith.constant 0 : i32
    %dma_start3A_451 = tpu.memref_slice %arg3[%dma_start3A_446, %add3A_432, %dma_start3A_450] : memref<4x4096x2048xf32, #tpu.memory_space<hbm>> -> memref<1x16x2048xf32, #tpu.memory_space<hbm>>
    %dma_start3A_452 = tpu.memref_squeeze %dma_start3A_451 : memref<1x16x2048xf32, #tpu.memory_space<hbm>> -> memref<16x2048xf32, #tpu.memory_space<hbm>>
    %dma_start3A_453 = arith.constant 0 : i32
    %dma_start3A_454 = tpu.memref_slice %arg3[%dma_start3A_446, %add3A_432, %dma_start3A_453] : memref<4x4096x2048xf32, #tpu.memory_space<hbm>> -> memref<1x16x2048xf32, #tpu.memory_space<hbm>>
    %dma_start3A_455 = tpu.memref_squeeze %dma_start3A_454 : memref<1x16x2048xf32, #tpu.memory_space<hbm>> -> memref<16x2048xf32, #tpu.memory_space<hbm>>
    %dma_start3A_456 = arith.constant 0 : i32
    %dma_start3A_457 = arith.constant 0 : i32
    %dma_start3A_458 = tpu.memref_slice %arg4[%dma_start3A_456, %dma_start3A_457] : memref<16x2048xf32, #tpu.memory_space<vmem>> -> memref<16x2048xf32, #tpu.memory_space<vmem>>
    tpu.enqueue_dma source(%dma_start3A_458 : memref<16x2048xf32, #tpu.memory_space<vmem>>) target(%dma_start3A_455 : memref<16x2048xf32, #tpu.memory_space<hbm>>) target_semaphore(%arg10 : memref<!tpu.dma_semaphore, #tpu.memory_space<semaphore_mem>>)
    %dma_start3A_459 = arith.constant 2 : i32
    %dma_start3A_460 = arith.constant 0 : i32
    %dma_start3A_461 = arith.constant 0 : i32
    %dma_start3A_462 = tpu.memref_slice %arg4[%dma_start3A_460, %dma_start3A_461] : memref<16x2048xf32, #tpu.memory_space<vmem>> -> memref<16x2048xf32, #tpu.memory_space<vmem>>
    %dma_start3A_463 = arith.constant 0 : i32
    %dma_start3A_464 = tpu.memref_slice %arg3[%dma_start3A_459, %add3A_432, %dma_start3A_463] : memref<4x4096x2048xf32, #tpu.memory_space<hbm>> -> memref<1x16x2048xf32, #tpu.memory_space<hbm>>
    %dma_start3A_465 = tpu.memref_squeeze %dma_start3A_464 : memref<1x16x2048xf32, #tpu.memory_space<hbm>> -> memref<16x2048xf32, #tpu.memory_space<hbm>>
    %dma_start3A_466 = arith.constant 0 : i32
    %dma_start3A_467 = tpu.memref_slice %arg3[%dma_start3A_459, %add3A_432, %dma_start3A_466] : memref<4x4096x2048xf32, #tpu.memory_space<hbm>> -> memref<1x16x2048xf32, #tpu.memory_space<hbm>>
    %dma_start3A_468 = tpu.memref_squeeze %dma_start3A_467 : memref<1x16x2048xf32, #tpu.memory_space<hbm>> -> memref<16x2048xf32, #tpu.memory_space<hbm>>
    %dma_start3A_469 = arith.constant 0 : i32
    %dma_start3A_470 = arith.constant 0 : i32
    %dma_start3A_471 = tpu.memref_slice %arg4[%dma_start3A_469, %dma_start3A_470] : memref<16x2048xf32, #tpu.memory_space<vmem>> -> memref<16x2048xf32, #tpu.memory_space<vmem>>
    tpu.enqueue_dma source(%dma_start3A_471 : memref<16x2048xf32, #tpu.memory_space<vmem>>) target(%dma_start3A_468 : memref<16x2048xf32, #tpu.memory_space<hbm>>) target_semaphore(%arg10 : memref<!tpu.dma_semaphore, #tpu.memory_space<semaphore_mem>>)
    %dma_start3A_472 = arith.constant 3 : i32
    %dma_start3A_473 = arith.constant 0 : i32
    %dma_start3A_474 = arith.constant 0 : i32
    %dma_start3A_475 = tpu.memref_slice %arg4[%dma_start3A_473, %dma_start3A_474] : memref<16x2048xf32, #tpu.memory_space<vmem>> -> memref<16x2048xf32, #tpu.memory_space<vmem>>
    %dma_start3A_476 = arith.constant 0 : i32
    %dma_start3A_477 = tpu.memref_slice %arg3[%dma_start3A_472, %add3A_432, %dma_start3A_476] : memref<4x4096x2048xf32, #tpu.memory_space<hbm>> -> memref<1x16x2048xf32, #tpu.memory_space<hbm>>
    %dma_start3A_478 = tpu.memref_squeeze %dma_start3A_477 : memref<1x16x2048xf32, #tpu.memory_space<hbm>> -> memref<16x2048xf32, #tpu.memory_space<hbm>>
    %dma_start3A_479 = arith.constant 0 : i32
    %dma_start3A_480 = tpu.memref_slice %arg3[%dma_start3A_472, %add3A_432, %dma_start3A_479] : memref<4x4096x2048xf32, #tpu.memory_space<hbm>> -> memref<1x16x2048xf32, #tpu.memory_space<hbm>>
    %dma_start3A_481 = tpu.memref_squeeze %dma_start3A_480 : memref<1x16x2048xf32, #tpu.memory_space<hbm>> -> memref<16x2048xf32, #tpu.memory_space<hbm>>
    %dma_start3A_482 = arith.constant 0 : i32
    %dma_start3A_483 = arith.constant 0 : i32
    %dma_start3A_484 = tpu.memref_slice %arg4[%dma_start3A_482, %dma_start3A_483] : memref<16x2048xf32, #tpu.memory_space<vmem>> -> memref<16x2048xf32, #tpu.memory_space<vmem>>
    tpu.enqueue_dma source(%dma_start3A_484 : memref<16x2048xf32, #tpu.memory_space<vmem>>) target(%dma_start3A_481 : memref<16x2048xf32, #tpu.memory_space<hbm>>) target_semaphore(%arg10 : memref<!tpu.dma_semaphore, #tpu.memory_space<semaphore_mem>>)
    %dma_wait3A_485 = arith.constant 0 : i32
    %dma_wait3A_486 = arith.constant 0 : i32
    %dma_wait3A_487 = arith.constant 0 : i32
    %dma_wait3A_488 = tpu.memref_slice %arg4[%dma_wait3A_486, %dma_wait3A_487] : memref<16x2048xf32, #tpu.memory_space<vmem>> -> memref<16x2048xf32, #tpu.memory_space<vmem>>
    %dma_wait3A_489 = arith.constant 0 : i32
    %dma_wait3A_490 = tpu.memref_slice %arg3[%dma_wait3A_485, %add3A_432, %dma_wait3A_489] : memref<4x4096x2048xf32, #tpu.memory_space<hbm>> -> memref<1x16x2048xf32, #tpu.memory_space<hbm>>
    %dma_wait3A_491 = tpu.memref_squeeze %dma_wait3A_490 : memref<1x16x2048xf32, #tpu.memory_space<hbm>> -> memref<16x2048xf32, #tpu.memory_space<hbm>>
    %dma_wait3A_492 = arith.constant 0 : i32
    %dma_wait3A_493 = tpu.memref_slice %arg3[%dma_wait3A_485, %add3A_432, %dma_wait3A_492] : memref<4x4096x2048xf32, #tpu.memory_space<hbm>> -> memref<1x16x2048xf32, #tpu.memory_space<hbm>>
    %dma_wait3A_494 = tpu.memref_squeeze %dma_wait3A_493 : memref<1x16x2048xf32, #tpu.memory_space<hbm>> -> memref<16x2048xf32, #tpu.memory_space<hbm>>
    %dma_wait3A_495 = arith.constant 0 : i32
    %dma_wait3A_496 = arith.constant 0 : i32
    %dma_wait3A_497 = tpu.memref_slice %arg4[%dma_wait3A_495, %dma_wait3A_496] : memref<16x2048xf32, #tpu.memory_space<vmem>> -> memref<16x2048xf32, #tpu.memory_space<vmem>>
    tpu.wait_dma2 semaphore(%arg10 : memref<!tpu.dma_semaphore, #tpu.memory_space<semaphore_mem>>) src(%dma_wait3A_497 : memref<16x2048xf32, #tpu.memory_space<vmem>>) dst(%dma_wait3A_494 : memref<16x2048xf32, #tpu.memory_space<hbm>>)
    %dma_wait3A_498 = arith.constant 1 : i32
    %dma_wait3A_499 = arith.constant 0 : i32
    %dma_wait3A_500 = arith.constant 0 : i32
    %dma_wait3A_501 = tpu.memref_slice %arg4[%dma_wait3A_499, %dma_wait3A_500] : memref<16x2048xf32, #tpu.memory_space<vmem>> -> memref<16x2048xf32, #tpu.memory_space<vmem>>
    %dma_wait3A_502 = arith.constant 0 : i32
    %dma_wait3A_503 = tpu.memref_slice %arg3[%dma_wait3A_498, %add3A_432, %dma_wait3A_502] : memref<4x4096x2048xf32, #tpu.memory_space<hbm>> -> memref<1x16x2048xf32, #tpu.memory_space<hbm>>
    %dma_wait3A_504 = tpu.memref_squeeze %dma_wait3A_503 : memref<1x16x2048xf32, #tpu.memory_space<hbm>> -> memref<16x2048xf32, #tpu.memory_space<hbm>>
    %dma_wait3A_505 = arith.constant 0 : i32
    %dma_wait3A_506 = tpu.memref_slice %arg3[%dma_wait3A_498, %add3A_432, %dma_wait3A_505] : memref<4x4096x2048xf32, #tpu.memory_space<hbm>> -> memref<1x16x2048xf32, #tpu.memory_space<hbm>>
    %dma_wait3A_507 = tpu.memref_squeeze %dma_wait3A_506 : memref<1x16x2048xf32, #tpu.memory_space<hbm>> -> memref<16x2048xf32, #tpu.memory_space<hbm>>
    %dma_wait3A_508 = arith.constant 0 : i32
    %dma_wait3A_509 = arith.constant 0 : i32
    %dma_wait3A_510 = tpu.memref_slice %arg4[%dma_wait3A_508, %dma_wait3A_509] : memref<16x2048xf32, #tpu.memory_space<vmem>> -> memref<16x2048xf32, #tpu.memory_space<vmem>>
    tpu.wait_dma2 semaphore(%arg10 : memref<!tpu.dma_semaphore, #tpu.memory_space<semaphore_mem>>) src(%dma_wait3A_510 : memref<16x2048xf32, #tpu.memory_space<vmem>>) dst(%dma_wait3A_507 : memref<16x2048xf32, #tpu.memory_space<hbm>>)
    %dma_wait3A_511 = arith.constant 2 : i32
    %dma_wait3A_512 = arith.constant 0 : i32
    %dma_wait3A_513 = arith.constant 0 : i32
    %dma_wait3A_514 = tpu.memref_slice %arg4[%dma_wait3A_512, %dma_wait3A_513] : memref<16x2048xf32, #tpu.memory_space<vmem>> -> memref<16x2048xf32, #tpu.memory_space<vmem>>
    %dma_wait3A_515 = arith.constant 0 : i32
    %dma_wait3A_516 = tpu.memref_slice %arg3[%dma_wait3A_511, %add3A_432, %dma_wait3A_515] : memref<4x4096x2048xf32, #tpu.memory_space<hbm>> -> memref<1x16x2048xf32, #tpu.memory_space<hbm>>
    %dma_wait3A_517 = tpu.memref_squeeze %dma_wait3A_516 : memref<1x16x2048xf32, #tpu.memory_space<hbm>> -> memref<16x2048xf32, #tpu.memory_space<hbm>>
    %dma_wait3A_518 = arith.constant 0 : i32
    %dma_wait3A_519 = tpu.memref_slice %arg3[%dma_wait3A_511, %add3A_432, %dma_wait3A_518] : memref<4x4096x2048xf32, #tpu.memory_space<hbm>> -> memref<1x16x2048xf32, #tpu.memory_space<hbm>>
    %dma_wait3A_520 = tpu.memref_squeeze %dma_wait3A_519 : memref<1x16x2048xf32, #tpu.memory_space<hbm>> -> memref<16x2048xf32, #tpu.memory_space<hbm>>
    %dma_wait3A_521 = arith.constant 0 : i32
    %dma_wait3A_522 = arith.constant 0 : i32
    %dma_wait3A_523 = tpu.memref_slice %arg4[%dma_wait3A_521, %dma_wait3A_522] : memref<16x2048xf32, #tpu.memory_space<vmem>> -> memref<16x2048xf32, #tpu.memory_space<vmem>>
    tpu.wait_dma2 semaphore(%arg10 : memref<!tpu.dma_semaphore, #tpu.memory_space<semaphore_mem>>) src(%dma_wait3A_523 : memref<16x2048xf32, #tpu.memory_space<vmem>>) dst(%dma_wait3A_520 : memref<16x2048xf32, #tpu.memory_space<hbm>>)
    %dma_wait3A_524 = arith.constant 3 : i32
    %dma_wait3A_525 = arith.constant 0 : i32
    %dma_wait3A_526 = arith.constant 0 : i32
    %dma_wait3A_527 = tpu.memref_slice %arg4[%dma_wait3A_525, %dma_wait3A_526] : memref<16x2048xf32, #tpu.memory_space<vmem>> -> memref<16x2048xf32, #tpu.memory_space<vmem>>
    %dma_wait3A_528 = arith.constant 0 : i32
    %dma_wait3A_529 = tpu.memref_slice %arg3[%dma_wait3A_524, %add3A_432, %dma_wait3A_528] : memref<4x4096x2048xf32, #tpu.memory_space<hbm>> -> memref<1x16x2048xf32, #tpu.memory_space<hbm>>
    %dma_wait3A_530 = tpu.memref_squeeze %dma_wait3A_529 : memref<1x16x2048xf32, #tpu.memory_space<hbm>> -> memref<16x2048xf32, #tpu.memory_space<hbm>>
    %dma_wait3A_531 = arith.constant 0 : i32
    %dma_wait3A_532 = tpu.memref_slice %arg3[%dma_wait3A_524, %add3A_432, %dma_wait3A_531] : memref<4x4096x2048xf32, #tpu.memory_space<hbm>> -> memref<1x16x2048xf32, #tpu.memory_space<hbm>>
    %dma_wait3A_533 = tpu.memref_squeeze %dma_wait3A_532 : memref<1x16x2048xf32, #tpu.memory_space<hbm>> -> memref<16x2048xf32, #tpu.memory_space<hbm>>
    %dma_wait3A_534 = arith.constant 0 : i32
    %dma_wait3A_535 = arith.constant 0 : i32
    %dma_wait3A_536 = tpu.memref_slice %arg4[%dma_wait3A_534, %dma_wait3A_535] : memref<16x2048xf32, #tpu.memory_space<vmem>> -> memref<16x2048xf32, #tpu.memory_space<vmem>>
    tpu.wait_dma2 semaphore(%arg10 : memref<!tpu.dma_semaphore, #tpu.memory_space<semaphore_mem>>) src(%dma_wait3A_536 : memref<16x2048xf32, #tpu.memory_space<vmem>>) dst(%dma_wait3A_533 : memref<16x2048xf32, #tpu.memory_space<hbm>>)
    %add3A_537 = arith.constant 96 : i32
    %add3A_538 = arith.addi %mul3A_2, %add3A_537 : i32
    %dma_start3A_539 = arith.constant 0 : i32
    %dma_start3A_540 = arith.constant 0 : i32
    %dma_start3A_541 = tpu.memref_slice %arg4[%dma_start3A_539, %dma_start3A_540] : memref<16x2048xf32, #tpu.memory_space<vmem>> -> memref<16x2048xf32, #tpu.memory_space<vmem>>
    %dma_start3A_542 = arith.constant 0 : i32
    %dma_start3A_543 = tpu.memref_slice %arg2[%add3A_538, %dma_start3A_542] : memref<8192x2048xf32, #tpu.memory_space<hbm>> -> memref<16x2048xf32, #tpu.memory_space<hbm>>
    %dma_start3A_544 = arith.constant 0 : i32
    %dma_start3A_545 = arith.constant 0 : i32
    %dma_start3A_546 = tpu.memref_slice %arg4[%dma_start3A_544, %dma_start3A_545] : memref<16x2048xf32, #tpu.memory_space<vmem>> -> memref<16x2048xf32, #tpu.memory_space<vmem>>
    %dma_start3A_547 = arith.constant 0 : i32
    %dma_start3A_548 = tpu.memref_slice %arg2[%add3A_538, %dma_start3A_547] : memref<8192x2048xf32, #tpu.memory_space<hbm>> -> memref<16x2048xf32, #tpu.memory_space<hbm>>
    tpu.enqueue_dma source(%dma_start3A_548 : memref<16x2048xf32, #tpu.memory_space<hbm>>) target(%dma_start3A_546 : memref<16x2048xf32, #tpu.memory_space<vmem>>) target_semaphore(%arg7 : memref<!tpu.dma_semaphore, #tpu.memory_space<semaphore_mem>>)
    %dma_wait3A_549 = arith.constant 0 : i32
    %dma_wait3A_550 = arith.constant 0 : i32
    %dma_wait3A_551 = tpu.memref_slice %arg5[%dma_wait3A_549, %dma_wait3A_550] : memref<16x2048xf32, #tpu.memory_space<vmem>> -> memref<16x2048xf32, #tpu.memory_space<vmem>>
    %dma_wait3A_552 = arith.constant 0 : i32
    %dma_wait3A_553 = tpu.memref_slice %arg2[%add3A_282, %dma_wait3A_552] : memref<8192x2048xf32, #tpu.memory_space<hbm>> -> memref<16x2048xf32, #tpu.memory_space<hbm>>
    %dma_wait3A_554 = arith.constant 0 : i32
    %dma_wait3A_555 = arith.constant 0 : i32
    %dma_wait3A_556 = tpu.memref_slice %arg5[%dma_wait3A_554, %dma_wait3A_555] : memref<16x2048xf32, #tpu.memory_space<vmem>> -> memref<16x2048xf32, #tpu.memory_space<vmem>>
    %dma_wait3A_557 = arith.constant 0 : i32
    %dma_wait3A_558 = tpu.memref_slice %arg2[%add3A_282, %dma_wait3A_557] : memref<8192x2048xf32, #tpu.memory_space<hbm>> -> memref<16x2048xf32, #tpu.memory_space<hbm>>
    tpu.wait_dma2 semaphore(%arg8 : memref<!tpu.dma_semaphore, #tpu.memory_space<semaphore_mem>>) src(%dma_wait3A_558 : memref<16x2048xf32, #tpu.memory_space<hbm>>) dst(%dma_wait3A_556 : memref<16x2048xf32, #tpu.memory_space<vmem>>)
    %add3A_559 = arith.constant 64 : i32
    %add3A_560 = arith.addi %mul3A_2, %add3A_559 : i32
    %dma_start3A_561 = arith.constant 0 : i32
    %dma_start3A_562 = arith.constant 0 : i32
    %dma_start3A_563 = arith.constant 0 : i32
    %dma_start3A_564 = tpu.memref_slice %arg5[%dma_start3A_562, %dma_start3A_563] : memref<16x2048xf32, #tpu.memory_space<vmem>> -> memref<16x2048xf32, #tpu.memory_space<vmem>>
    %dma_start3A_565 = arith.constant 0 : i32
    %dma_start3A_566 = tpu.memref_slice %arg3[%dma_start3A_561, %add3A_560, %dma_start3A_565] : memref<4x4096x2048xf32, #tpu.memory_space<hbm>> -> memref<1x16x2048xf32, #tpu.memory_space<hbm>>
    %dma_start3A_567 = tpu.memref_squeeze %dma_start3A_566 : memref<1x16x2048xf32, #tpu.memory_space<hbm>> -> memref<16x2048xf32, #tpu.memory_space<hbm>>
    %dma_start3A_568 = arith.constant 0 : i32
    %dma_start3A_569 = tpu.memref_slice %arg3[%dma_start3A_561, %add3A_560, %dma_start3A_568] : memref<4x4096x2048xf32, #tpu.memory_space<hbm>> -> memref<1x16x2048xf32, #tpu.memory_space<hbm>>
    %dma_start3A_570 = tpu.memref_squeeze %dma_start3A_569 : memref<1x16x2048xf32, #tpu.memory_space<hbm>> -> memref<16x2048xf32, #tpu.memory_space<hbm>>
    %dma_start3A_571 = arith.constant 0 : i32
    %dma_start3A_572 = arith.constant 0 : i32
    %dma_start3A_573 = tpu.memref_slice %arg5[%dma_start3A_571, %dma_start3A_572] : memref<16x2048xf32, #tpu.memory_space<vmem>> -> memref<16x2048xf32, #tpu.memory_space<vmem>>
    tpu.enqueue_dma source(%dma_start3A_573 : memref<16x2048xf32, #tpu.memory_space<vmem>>) target(%dma_start3A_570 : memref<16x2048xf32, #tpu.memory_space<hbm>>) target_semaphore(%arg11 : memref<!tpu.dma_semaphore, #tpu.memory_space<semaphore_mem>>)
    %dma_start3A_574 = arith.constant 1 : i32
    %dma_start3A_575 = arith.constant 0 : i32
    %dma_start3A_576 = arith.constant 0 : i32
    %dma_start3A_577 = tpu.memref_slice %arg5[%dma_start3A_575, %dma_start3A_576] : memref<16x2048xf32, #tpu.memory_space<vmem>> -> memref<16x2048xf32, #tpu.memory_space<vmem>>
    %dma_start3A_578 = arith.constant 0 : i32
    %dma_start3A_579 = tpu.memref_slice %arg3[%dma_start3A_574, %add3A_560, %dma_start3A_578] : memref<4x4096x2048xf32, #tpu.memory_space<hbm>> -> memref<1x16x2048xf32, #tpu.memory_space<hbm>>
    %dma_start3A_580 = tpu.memref_squeeze %dma_start3A_579 : memref<1x16x2048xf32, #tpu.memory_space<hbm>> -> memref<16x2048xf32, #tpu.memory_space<hbm>>
    %dma_start3A_581 = arith.constant 0 : i32
    %dma_start3A_582 = tpu.memref_slice %arg3[%dma_start3A_574, %add3A_560, %dma_start3A_581] : memref<4x4096x2048xf32, #tpu.memory_space<hbm>> -> memref<1x16x2048xf32, #tpu.memory_space<hbm>>
    %dma_start3A_583 = tpu.memref_squeeze %dma_start3A_582 : memref<1x16x2048xf32, #tpu.memory_space<hbm>> -> memref<16x2048xf32, #tpu.memory_space<hbm>>
    %dma_start3A_584 = arith.constant 0 : i32
    %dma_start3A_585 = arith.constant 0 : i32
    %dma_start3A_586 = tpu.memref_slice %arg5[%dma_start3A_584, %dma_start3A_585] : memref<16x2048xf32, #tpu.memory_space<vmem>> -> memref<16x2048xf32, #tpu.memory_space<vmem>>
    tpu.enqueue_dma source(%dma_start3A_586 : memref<16x2048xf32, #tpu.memory_space<vmem>>) target(%dma_start3A_583 : memref<16x2048xf32, #tpu.memory_space<hbm>>) target_semaphore(%arg11 : memref<!tpu.dma_semaphore, #tpu.memory_space<semaphore_mem>>)
    %dma_start3A_587 = arith.constant 2 : i32
    %dma_start3A_588 = arith.constant 0 : i32
    %dma_start3A_589 = arith.constant 0 : i32
    %dma_start3A_590 = tpu.memref_slice %arg5[%dma_start3A_588, %dma_start3A_589] : memref<16x2048xf32, #tpu.memory_space<vmem>> -> memref<16x2048xf32, #tpu.memory_space<vmem>>
    %dma_start3A_591 = arith.constant 0 : i32
    %dma_start3A_592 = tpu.memref_slice %arg3[%dma_start3A_587, %add3A_560, %dma_start3A_591] : memref<4x4096x2048xf32, #tpu.memory_space<hbm>> -> memref<1x16x2048xf32, #tpu.memory_space<hbm>>
    %dma_start3A_593 = tpu.memref_squeeze %dma_start3A_592 : memref<1x16x2048xf32, #tpu.memory_space<hbm>> -> memref<16x2048xf32, #tpu.memory_space<hbm>>
    %dma_start3A_594 = arith.constant 0 : i32
    %dma_start3A_595 = tpu.memref_slice %arg3[%dma_start3A_587, %add3A_560, %dma_start3A_594] : memref<4x4096x2048xf32, #tpu.memory_space<hbm>> -> memref<1x16x2048xf32, #tpu.memory_space<hbm>>
    %dma_start3A_596 = tpu.memref_squeeze %dma_start3A_595 : memref<1x16x2048xf32, #tpu.memory_space<hbm>> -> memref<16x2048xf32, #tpu.memory_space<hbm>>
    %dma_start3A_597 = arith.constant 0 : i32
    %dma_start3A_598 = arith.constant 0 : i32
    %dma_start3A_599 = tpu.memref_slice %arg5[%dma_start3A_597, %dma_start3A_598] : memref<16x2048xf32, #tpu.memory_space<vmem>> -> memref<16x2048xf32, #tpu.memory_space<vmem>>
    tpu.enqueue_dma source(%dma_start3A_599 : memref<16x2048xf32, #tpu.memory_space<vmem>>) target(%dma_start3A_596 : memref<16x2048xf32, #tpu.memory_space<hbm>>) target_semaphore(%arg11 : memref<!tpu.dma_semaphore, #tpu.memory_space<semaphore_mem>>)
    %dma_start3A_600 = arith.constant 3 : i32
    %dma_start3A_601 = arith.constant 0 : i32
    %dma_start3A_602 = arith.constant 0 : i32
    %dma_start3A_603 = tpu.memref_slice %arg5[%dma_start3A_601, %dma_start3A_602] : memref<16x2048xf32, #tpu.memory_space<vmem>> -> memref<16x2048xf32, #tpu.memory_space<vmem>>
    %dma_start3A_604 = arith.constant 0 : i32
    %dma_start3A_605 = tpu.memref_slice %arg3[%dma_start3A_600, %add3A_560, %dma_start3A_604] : memref<4x4096x2048xf32, #tpu.memory_space<hbm>> -> memref<1x16x2048xf32, #tpu.memory_space<hbm>>
    %dma_start3A_606 = tpu.memref_squeeze %dma_start3A_605 : memref<1x16x2048xf32, #tpu.memory_space<hbm>> -> memref<16x2048xf32, #tpu.memory_space<hbm>>
    %dma_start3A_607 = arith.constant 0 : i32
    %dma_start3A_608 = tpu.memref_slice %arg3[%dma_start3A_600, %add3A_560, %dma_start3A_607] : memref<4x4096x2048xf32, #tpu.memory_space<hbm>> -> memref<1x16x2048xf32, #tpu.memory_space<hbm>>
    %dma_start3A_609 = tpu.memref_squeeze %dma_start3A_608 : memref<1x16x2048xf32, #tpu.memory_space<hbm>> -> memref<16x2048xf32, #tpu.memory_space<hbm>>
    %dma_start3A_610 = arith.constant 0 : i32
    %dma_start3A_611 = arith.constant 0 : i32
    %dma_start3A_612 = tpu.memref_slice %arg5[%dma_start3A_610, %dma_start3A_611] : memref<16x2048xf32, #tpu.memory_space<vmem>> -> memref<16x2048xf32, #tpu.memory_space<vmem>>
    tpu.enqueue_dma source(%dma_start3A_612 : memref<16x2048xf32, #tpu.memory_space<vmem>>) target(%dma_start3A_609 : memref<16x2048xf32, #tpu.memory_space<hbm>>) target_semaphore(%arg11 : memref<!tpu.dma_semaphore, #tpu.memory_space<semaphore_mem>>)
    %dma_wait3A_613 = arith.constant 0 : i32
    %dma_wait3A_614 = arith.constant 0 : i32
    %dma_wait3A_615 = arith.constant 0 : i32
    %dma_wait3A_616 = tpu.memref_slice %arg5[%dma_wait3A_614, %dma_wait3A_615] : memref<16x2048xf32, #tpu.memory_space<vmem>> -> memref<16x2048xf32, #tpu.memory_space<vmem>>
    %dma_wait3A_617 = arith.constant 0 : i32
    %dma_wait3A_618 = tpu.memref_slice %arg3[%dma_wait3A_613, %add3A_560, %dma_wait3A_617] : memref<4x4096x2048xf32, #tpu.memory_space<hbm>> -> memref<1x16x2048xf32, #tpu.memory_space<hbm>>
    %dma_wait3A_619 = tpu.memref_squeeze %dma_wait3A_618 : memref<1x16x2048xf32, #tpu.memory_space<hbm>> -> memref<16x2048xf32, #tpu.memory_space<hbm>>
    %dma_wait3A_620 = arith.constant 0 : i32
    %dma_wait3A_621 = tpu.memref_slice %arg3[%dma_wait3A_613, %add3A_560, %dma_wait3A_620] : memref<4x4096x2048xf32, #tpu.memory_space<hbm>> -> memref<1x16x2048xf32, #tpu.memory_space<hbm>>
    %dma_wait3A_622 = tpu.memref_squeeze %dma_wait3A_621 : memref<1x16x2048xf32, #tpu.memory_space<hbm>> -> memref<16x2048xf32, #tpu.memory_space<hbm>>
    %dma_wait3A_623 = arith.constant 0 : i32
    %dma_wait3A_624 = arith.constant 0 : i32
    %dma_wait3A_625 = tpu.memref_slice %arg5[%dma_wait3A_623, %dma_wait3A_624] : memref<16x2048xf32, #tpu.memory_space<vmem>> -> memref<16x2048xf32, #tpu.memory_space<vmem>>
    tpu.wait_dma2 semaphore(%arg11 : memref<!tpu.dma_semaphore, #tpu.memory_space<semaphore_mem>>) src(%dma_wait3A_625 : memref<16x2048xf32, #tpu.memory_space<vmem>>) dst(%dma_wait3A_622 : memref<16x2048xf32, #tpu.memory_space<hbm>>)
    %dma_wait3A_626 = arith.constant 1 : i32
    %dma_wait3A_627 = arith.constant 0 : i32
    %dma_wait3A_628 = arith.constant 0 : i32
    %dma_wait3A_629 = tpu.memref_slice %arg5[%dma_wait3A_627, %dma_wait3A_628] : memref<16x2048xf32, #tpu.memory_space<vmem>> -> memref<16x2048xf32, #tpu.memory_space<vmem>>
    %dma_wait3A_630 = arith.constant 0 : i32
    %dma_wait3A_631 = tpu.memref_slice %arg3[%dma_wait3A_626, %add3A_560, %dma_wait3A_630] : memref<4x4096x2048xf32, #tpu.memory_space<hbm>> -> memref<1x16x2048xf32, #tpu.memory_space<hbm>>
    %dma_wait3A_632 = tpu.memref_squeeze %dma_wait3A_631 : memref<1x16x2048xf32, #tpu.memory_space<hbm>> -> memref<16x2048xf32, #tpu.memory_space<hbm>>
    %dma_wait3A_633 = arith.constant 0 : i32
    %dma_wait3A_634 = tpu.memref_slice %arg3[%dma_wait3A_626, %add3A_560, %dma_wait3A_633] : memref<4x4096x2048xf32, #tpu.memory_space<hbm>> -> memref<1x16x2048xf32, #tpu.memory_space<hbm>>
    %dma_wait3A_635 = tpu.memref_squeeze %dma_wait3A_634 : memref<1x16x2048xf32, #tpu.memory_space<hbm>> -> memref<16x2048xf32, #tpu.memory_space<hbm>>
    %dma_wait3A_636 = arith.constant 0 : i32
    %dma_wait3A_637 = arith.constant 0 : i32
    %dma_wait3A_638 = tpu.memref_slice %arg5[%dma_wait3A_636, %dma_wait3A_637] : memref<16x2048xf32, #tpu.memory_space<vmem>> -> memref<16x2048xf32, #tpu.memory_space<vmem>>
    tpu.wait_dma2 semaphore(%arg11 : memref<!tpu.dma_semaphore, #tpu.memory_space<semaphore_mem>>) src(%dma_wait3A_638 : memref<16x2048xf32, #tpu.memory_space<vmem>>) dst(%dma_wait3A_635 : memref<16x2048xf32, #tpu.memory_space<hbm>>)
    %dma_wait3A_639 = arith.constant 2 : i32
    %dma_wait3A_640 = arith.constant 0 : i32
    %dma_wait3A_641 = arith.constant 0 : i32
    %dma_wait3A_642 = tpu.memref_slice %arg5[%dma_wait3A_640, %dma_wait3A_641] : memref<16x2048xf32, #tpu.memory_space<vmem>> -> memref<16x2048xf32, #tpu.memory_space<vmem>>
    %dma_wait3A_643 = arith.constant 0 : i32
    %dma_wait3A_644 = tpu.memref_slice %arg3[%dma_wait3A_639, %add3A_560, %dma_wait3A_643] : memref<4x4096x2048xf32, #tpu.memory_space<hbm>> -> memref<1x16x2048xf32, #tpu.memory_space<hbm>>
    %dma_wait3A_645 = tpu.memref_squeeze %dma_wait3A_644 : memref<1x16x2048xf32, #tpu.memory_space<hbm>> -> memref<16x2048xf32, #tpu.memory_space<hbm>>
    %dma_wait3A_646 = arith.constant 0 : i32
    %dma_wait3A_647 = tpu.memref_slice %arg3[%dma_wait3A_639, %add3A_560, %dma_wait3A_646] : memref<4x4096x2048xf32, #tpu.memory_space<hbm>> -> memref<1x16x2048xf32, #tpu.memory_space<hbm>>
    %dma_wait3A_648 = tpu.memref_squeeze %dma_wait3A_647 : memref<1x16x2048xf32, #tpu.memory_space<hbm>> -> memref<16x2048xf32, #tpu.memory_space<hbm>>
    %dma_wait3A_649 = arith.constant 0 : i32
    %dma_wait3A_650 = arith.constant 0 : i32
    %dma_wait3A_651 = tpu.memref_slice %arg5[%dma_wait3A_649, %dma_wait3A_650] : memref<16x2048xf32, #tpu.memory_space<vmem>> -> memref<16x2048xf32, #tpu.memory_space<vmem>>
    tpu.wait_dma2 semaphore(%arg11 : memref<!tpu.dma_semaphore, #tpu.memory_space<semaphore_mem>>) src(%dma_wait3A_651 : memref<16x2048xf32, #tpu.memory_space<vmem>>) dst(%dma_wait3A_648 : memref<16x2048xf32, #tpu.memory_space<hbm>>)
    %dma_wait3A_652 = arith.constant 3 : i32
    %dma_wait3A_653 = arith.constant 0 : i32
    %dma_wait3A_654 = arith.constant 0 : i32
    %dma_wait3A_655 = tpu.memref_slice %arg5[%dma_wait3A_653, %dma_wait3A_654] : memref<16x2048xf32, #tpu.memory_space<vmem>> -> memref<16x2048xf32, #tpu.memory_space<vmem>>
    %dma_wait3A_656 = arith.constant 0 : i32
    %dma_wait3A_657 = tpu.memref_slice %arg3[%dma_wait3A_652, %add3A_560, %dma_wait3A_656] : memref<4x4096x2048xf32, #tpu.memory_space<hbm>> -> memref<1x16x2048xf32, #tpu.memory_space<hbm>>
    %dma_wait3A_658 = tpu.memref_squeeze %dma_wait3A_657 : memref<1x16x2048xf32, #tpu.memory_space<hbm>> -> memref<16x2048xf32, #tpu.memory_space<hbm>>
    %dma_wait3A_659 = arith.constant 0 : i32
    %dma_wait3A_660 = tpu.memref_slice %arg3[%dma_wait3A_652, %add3A_560, %dma_wait3A_659] : memref<4x4096x2048xf32, #tpu.memory_space<hbm>> -> memref<1x16x2048xf32, #tpu.memory_space<hbm>>
    %dma_wait3A_661 = tpu.memref_squeeze %dma_wait3A_660 : memref<1x16x2048xf32, #tpu.memory_space<hbm>> -> memref<16x2048xf32, #tpu.memory_space<hbm>>
    %dma_wait3A_662 = arith.constant 0 : i32
    %dma_wait3A_663 = arith.constant 0 : i32
    %dma_wait3A_664 = tpu.memref_slice %arg5[%dma_wait3A_662, %dma_wait3A_663] : memref<16x2048xf32, #tpu.memory_space<vmem>> -> memref<16x2048xf32, #tpu.memory_space<vmem>>
    tpu.wait_dma2 semaphore(%arg11 : memref<!tpu.dma_semaphore, #tpu.memory_space<semaphore_mem>>) src(%dma_wait3A_664 : memref<16x2048xf32, #tpu.memory_space<vmem>>) dst(%dma_wait3A_661 : memref<16x2048xf32, #tpu.memory_space<hbm>>)
    %add3A_665 = arith.constant 112 : i32
    %add3A_666 = arith.addi %mul3A_2, %add3A_665 : i32
    %dma_start3A_667 = arith.constant 0 : i32
    %dma_start3A_668 = arith.constant 0 : i32
    %dma_start3A_669 = tpu.memref_slice %arg5[%dma_start3A_667, %dma_start3A_668] : memref<16x2048xf32, #tpu.memory_space<vmem>> -> memref<16x2048xf32, #tpu.memory_space<vmem>>
    %dma_start3A_670 = arith.constant 0 : i32
    %dma_start3A_671 = tpu.memref_slice %arg2[%add3A_666, %dma_start3A_670] : memref<8192x2048xf32, #tpu.memory_space<hbm>> -> memref<16x2048xf32, #tpu.memory_space<hbm>>
    %dma_start3A_672 = arith.constant 0 : i32
    %dma_start3A_673 = arith.constant 0 : i32
    %dma_start3A_674 = tpu.memref_slice %arg5[%dma_start3A_672, %dma_start3A_673] : memref<16x2048xf32, #tpu.memory_space<vmem>> -> memref<16x2048xf32, #tpu.memory_space<vmem>>
    %dma_start3A_675 = arith.constant 0 : i32
    %dma_start3A_676 = tpu.memref_slice %arg2[%add3A_666, %dma_start3A_675] : memref<8192x2048xf32, #tpu.memory_space<hbm>> -> memref<16x2048xf32, #tpu.memory_space<hbm>>
    tpu.enqueue_dma source(%dma_start3A_676 : memref<16x2048xf32, #tpu.memory_space<hbm>>) target(%dma_start3A_674 : memref<16x2048xf32, #tpu.memory_space<vmem>>) target_semaphore(%arg8 : memref<!tpu.dma_semaphore, #tpu.memory_space<semaphore_mem>>)
    %dma_wait3A_677 = arith.constant 0 : i32
    %dma_wait3A_678 = arith.constant 0 : i32
    %dma_wait3A_679 = tpu.memref_slice %arg6[%dma_wait3A_677, %dma_wait3A_678] : memref<16x2048xf32, #tpu.memory_space<vmem>> -> memref<16x2048xf32, #tpu.memory_space<vmem>>
    %dma_wait3A_680 = arith.constant 0 : i32
    %dma_wait3A_681 = tpu.memref_slice %arg2[%add3A_410, %dma_wait3A_680] : memref<8192x2048xf32, #tpu.memory_space<hbm>> -> memref<16x2048xf32, #tpu.memory_space<hbm>>
    %dma_wait3A_682 = arith.constant 0 : i32
    %dma_wait3A_683 = arith.constant 0 : i32
    %dma_wait3A_684 = tpu.memref_slice %arg6[%dma_wait3A_682, %dma_wait3A_683] : memref<16x2048xf32, #tpu.memory_space<vmem>> -> memref<16x2048xf32, #tpu.memory_space<vmem>>
    %dma_wait3A_685 = arith.constant 0 : i32
    %dma_wait3A_686 = tpu.memref_slice %arg2[%add3A_410, %dma_wait3A_685] : memref<8192x2048xf32, #tpu.memory_space<hbm>> -> memref<16x2048xf32, #tpu.memory_space<hbm>>
    tpu.wait_dma2 semaphore(%arg9 : memref<!tpu.dma_semaphore, #tpu.memory_space<semaphore_mem>>) src(%dma_wait3A_686 : memref<16x2048xf32, #tpu.memory_space<hbm>>) dst(%dma_wait3A_684 : memref<16x2048xf32, #tpu.memory_space<vmem>>)
    %add3A_687 = arith.constant 80 : i32
    %add3A_688 = arith.addi %mul3A_2, %add3A_687 : i32
    %dma_start3A_689 = arith.constant 0 : i32
    %dma_start3A_690 = arith.constant 0 : i32
    %dma_start3A_691 = arith.constant 0 : i32
    %dma_start3A_692 = tpu.memref_slice %arg6[%dma_start3A_690, %dma_start3A_691] : memref<16x2048xf32, #tpu.memory_space<vmem>> -> memref<16x2048xf32, #tpu.memory_space<vmem>>
    %dma_start3A_693 = arith.constant 0 : i32
    %dma_start3A_694 = tpu.memref_slice %arg3[%dma_start3A_689, %add3A_688, %dma_start3A_693] : memref<4x4096x2048xf32, #tpu.memory_space<hbm>> -> memref<1x16x2048xf32, #tpu.memory_space<hbm>>
    %dma_start3A_695 = tpu.memref_squeeze %dma_start3A_694 : memref<1x16x2048xf32, #tpu.memory_space<hbm>> -> memref<16x2048xf32, #tpu.memory_space<hbm>>
    %dma_start3A_696 = arith.constant 0 : i32
    %dma_start3A_697 = tpu.memref_slice %arg3[%dma_start3A_689, %add3A_688, %dma_start3A_696] : memref<4x4096x2048xf32, #tpu.memory_space<hbm>> -> memref<1x16x2048xf32, #tpu.memory_space<hbm>>
    %dma_start3A_698 = tpu.memref_squeeze %dma_start3A_697 : memref<1x16x2048xf32, #tpu.memory_space<hbm>> -> memref<16x2048xf32, #tpu.memory_space<hbm>>
    %dma_start3A_699 = arith.constant 0 : i32
    %dma_start3A_700 = arith.constant 0 : i32
    %dma_start3A_701 = tpu.memref_slice %arg6[%dma_start3A_699, %dma_start3A_700] : memref<16x2048xf32, #tpu.memory_space<vmem>> -> memref<16x2048xf32, #tpu.memory_space<vmem>>
    tpu.enqueue_dma source(%dma_start3A_701 : memref<16x2048xf32, #tpu.memory_space<vmem>>) target(%dma_start3A_698 : memref<16x2048xf32, #tpu.memory_space<hbm>>) target_semaphore(%arg12 : memref<!tpu.dma_semaphore, #tpu.memory_space<semaphore_mem>>)
    %dma_start3A_702 = arith.constant 1 : i32
    %dma_start3A_703 = arith.constant 0 : i32
    %dma_start3A_704 = arith.constant 0 : i32
    %dma_start3A_705 = tpu.memref_slice %arg6[%dma_start3A_703, %dma_start3A_704] : memref<16x2048xf32, #tpu.memory_space<vmem>> -> memref<16x2048xf32, #tpu.memory_space<vmem>>
    %dma_start3A_706 = arith.constant 0 : i32
    %dma_start3A_707 = tpu.memref_slice %arg3[%dma_start3A_702, %add3A_688, %dma_start3A_706] : memref<4x4096x2048xf32, #tpu.memory_space<hbm>> -> memref<1x16x2048xf32, #tpu.memory_space<hbm>>
    %dma_start3A_708 = tpu.memref_squeeze %dma_start3A_707 : memref<1x16x2048xf32, #tpu.memory_space<hbm>> -> memref<16x2048xf32, #tpu.memory_space<hbm>>
    %dma_start3A_709 = arith.constant 0 : i32
    %dma_start3A_710 = tpu.memref_slice %arg3[%dma_start3A_702, %add3A_688, %dma_start3A_709] : memref<4x4096x2048xf32, #tpu.memory_space<hbm>> -> memref<1x16x2048xf32, #tpu.memory_space<hbm>>
    %dma_start3A_711 = tpu.memref_squeeze %dma_start3A_710 : memref<1x16x2048xf32, #tpu.memory_space<hbm>> -> memref<16x2048xf32, #tpu.memory_space<hbm>>
    %dma_start3A_712 = arith.constant 0 : i32
    %dma_start3A_713 = arith.constant 0 : i32
    %dma_start3A_714 = tpu.memref_slice %arg6[%dma_start3A_712, %dma_start3A_713] : memref<16x2048xf32, #tpu.memory_space<vmem>> -> memref<16x2048xf32, #tpu.memory_space<vmem>>
    tpu.enqueue_dma source(%dma_start3A_714 : memref<16x2048xf32, #tpu.memory_space<vmem>>) target(%dma_start3A_711 : memref<16x2048xf32, #tpu.memory_space<hbm>>) target_semaphore(%arg12 : memref<!tpu.dma_semaphore, #tpu.memory_space<semaphore_mem>>)
    %dma_start3A_715 = arith.constant 2 : i32
    %dma_start3A_716 = arith.constant 0 : i32
    %dma_start3A_717 = arith.constant 0 : i32
    %dma_start3A_718 = tpu.memref_slice %arg6[%dma_start3A_716, %dma_start3A_717] : memref<16x2048xf32, #tpu.memory_space<vmem>> -> memref<16x2048xf32, #tpu.memory_space<vmem>>
    %dma_start3A_719 = arith.constant 0 : i32
    %dma_start3A_720 = tpu.memref_slice %arg3[%dma_start3A_715, %add3A_688, %dma_start3A_719] : memref<4x4096x2048xf32, #tpu.memory_space<hbm>> -> memref<1x16x2048xf32, #tpu.memory_space<hbm>>
    %dma_start3A_721 = tpu.memref_squeeze %dma_start3A_720 : memref<1x16x2048xf32, #tpu.memory_space<hbm>> -> memref<16x2048xf32, #tpu.memory_space<hbm>>
    %dma_start3A_722 = arith.constant 0 : i32
    %dma_start3A_723 = tpu.memref_slice %arg3[%dma_start3A_715, %add3A_688, %dma_start3A_722] : memref<4x4096x2048xf32, #tpu.memory_space<hbm>> -> memref<1x16x2048xf32, #tpu.memory_space<hbm>>
    %dma_start3A_724 = tpu.memref_squeeze %dma_start3A_723 : memref<1x16x2048xf32, #tpu.memory_space<hbm>> -> memref<16x2048xf32, #tpu.memory_space<hbm>>
    %dma_start3A_725 = arith.constant 0 : i32
    %dma_start3A_726 = arith.constant 0 : i32
    %dma_start3A_727 = tpu.memref_slice %arg6[%dma_start3A_725, %dma_start3A_726] : memref<16x2048xf32, #tpu.memory_space<vmem>> -> memref<16x2048xf32, #tpu.memory_space<vmem>>
    tpu.enqueue_dma source(%dma_start3A_727 : memref<16x2048xf32, #tpu.memory_space<vmem>>) target(%dma_start3A_724 : memref<16x2048xf32, #tpu.memory_space<hbm>>) target_semaphore(%arg12 : memref<!tpu.dma_semaphore, #tpu.memory_space<semaphore_mem>>)
    %dma_start3A_728 = arith.constant 3 : i32
    %dma_start3A_729 = arith.constant 0 : i32
    %dma_start3A_730 = arith.constant 0 : i32
    %dma_start3A_731 = tpu.memref_slice %arg6[%dma_start3A_729, %dma_start3A_730] : memref<16x2048xf32, #tpu.memory_space<vmem>> -> memref<16x2048xf32, #tpu.memory_space<vmem>>
    %dma_start3A_732 = arith.constant 0 : i32
    %dma_start3A_733 = tpu.memref_slice %arg3[%dma_start3A_728, %add3A_688, %dma_start3A_732] : memref<4x4096x2048xf32, #tpu.memory_space<hbm>> -> memref<1x16x2048xf32, #tpu.memory_space<hbm>>
    %dma_start3A_734 = tpu.memref_squeeze %dma_start3A_733 : memref<1x16x2048xf32, #tpu.memory_space<hbm>> -> memref<16x2048xf32, #tpu.memory_space<hbm>>
    %dma_start3A_735 = arith.constant 0 : i32
    %dma_start3A_736 = tpu.memref_slice %arg3[%dma_start3A_728, %add3A_688, %dma_start3A_735] : memref<4x4096x2048xf32, #tpu.memory_space<hbm>> -> memref<1x16x2048xf32, #tpu.memory_space<hbm>>
    %dma_start3A_737 = tpu.memref_squeeze %dma_start3A_736 : memref<1x16x2048xf32, #tpu.memory_space<hbm>> -> memref<16x2048xf32, #tpu.memory_space<hbm>>
    %dma_start3A_738 = arith.constant 0 : i32
    %dma_start3A_739 = arith.constant 0 : i32
    %dma_start3A_740 = tpu.memref_slice %arg6[%dma_start3A_738, %dma_start3A_739] : memref<16x2048xf32, #tpu.memory_space<vmem>> -> memref<16x2048xf32, #tpu.memory_space<vmem>>
    tpu.enqueue_dma source(%dma_start3A_740 : memref<16x2048xf32, #tpu.memory_space<vmem>>) target(%dma_start3A_737 : memref<16x2048xf32, #tpu.memory_space<hbm>>) target_semaphore(%arg12 : memref<!tpu.dma_semaphore, #tpu.memory_space<semaphore_mem>>)
    %dma_wait3A_741 = arith.constant 0 : i32
    %dma_wait3A_742 = arith.constant 0 : i32
    %dma_wait3A_743 = tpu.memref_slice %arg4[%dma_wait3A_741, %dma_wait3A_742] : memref<16x2048xf32, #tpu.memory_space<vmem>> -> memref<16x2048xf32, #tpu.memory_space<vmem>>
    %dma_wait3A_744 = arith.constant 0 : i32
    %dma_wait3A_745 = tpu.memref_slice %arg2[%add3A_538, %dma_wait3A_744] : memref<8192x2048xf32, #tpu.memory_space<hbm>> -> memref<16x2048xf32, #tpu.memory_space<hbm>>
    %dma_wait3A_746 = arith.constant 0 : i32
    %dma_wait3A_747 = arith.constant 0 : i32
    %dma_wait3A_748 = tpu.memref_slice %arg4[%dma_wait3A_746, %dma_wait3A_747] : memref<16x2048xf32, #tpu.memory_space<vmem>> -> memref<16x2048xf32, #tpu.memory_space<vmem>>
    %dma_wait3A_749 = arith.constant 0 : i32
    %dma_wait3A_750 = tpu.memref_slice %arg2[%add3A_538, %dma_wait3A_749] : memref<8192x2048xf32, #tpu.memory_space<hbm>> -> memref<16x2048xf32, #tpu.memory_space<hbm>>
    tpu.wait_dma2 semaphore(%arg7 : memref<!tpu.dma_semaphore, #tpu.memory_space<semaphore_mem>>) src(%dma_wait3A_750 : memref<16x2048xf32, #tpu.memory_space<hbm>>) dst(%dma_wait3A_748 : memref<16x2048xf32, #tpu.memory_space<vmem>>)
    %add3A_751 = arith.constant 96 : i32
    %add3A_752 = arith.addi %mul3A_2, %add3A_751 : i32
    %dma_start3A_753 = arith.constant 0 : i32
    %dma_start3A_754 = arith.constant 0 : i32
    %dma_start3A_755 = arith.constant 0 : i32
    %dma_start3A_756 = tpu.memref_slice %arg4[%dma_start3A_754, %dma_start3A_755] : memref<16x2048xf32, #tpu.memory_space<vmem>> -> memref<16x2048xf32, #tpu.memory_space<vmem>>
    %dma_start3A_757 = arith.constant 0 : i32
    %dma_start3A_758 = tpu.memref_slice %arg3[%dma_start3A_753, %add3A_752, %dma_start3A_757] : memref<4x4096x2048xf32, #tpu.memory_space<hbm>> -> memref<1x16x2048xf32, #tpu.memory_space<hbm>>
    %dma_start3A_759 = tpu.memref_squeeze %dma_start3A_758 : memref<1x16x2048xf32, #tpu.memory_space<hbm>> -> memref<16x2048xf32, #tpu.memory_space<hbm>>
    %dma_start3A_760 = arith.constant 0 : i32
    %dma_start3A_761 = tpu.memref_slice %arg3[%dma_start3A_753, %add3A_752, %dma_start3A_760] : memref<4x4096x2048xf32, #tpu.memory_space<hbm>> -> memref<1x16x2048xf32, #tpu.memory_space<hbm>>
    %dma_start3A_762 = tpu.memref_squeeze %dma_start3A_761 : memref<1x16x2048xf32, #tpu.memory_space<hbm>> -> memref<16x2048xf32, #tpu.memory_space<hbm>>
    %dma_start3A_763 = arith.constant 0 : i32
    %dma_start3A_764 = arith.constant 0 : i32
    %dma_start3A_765 = tpu.memref_slice %arg4[%dma_start3A_763, %dma_start3A_764] : memref<16x2048xf32, #tpu.memory_space<vmem>> -> memref<16x2048xf32, #tpu.memory_space<vmem>>
    tpu.enqueue_dma source(%dma_start3A_765 : memref<16x2048xf32, #tpu.memory_space<vmem>>) target(%dma_start3A_762 : memref<16x2048xf32, #tpu.memory_space<hbm>>) target_semaphore(%arg10 : memref<!tpu.dma_semaphore, #tpu.memory_space<semaphore_mem>>)
    %dma_start3A_766 = arith.constant 1 : i32
    %dma_start3A_767 = arith.constant 0 : i32
    %dma_start3A_768 = arith.constant 0 : i32
    %dma_start3A_769 = tpu.memref_slice %arg4[%dma_start3A_767, %dma_start3A_768] : memref<16x2048xf32, #tpu.memory_space<vmem>> -> memref<16x2048xf32, #tpu.memory_space<vmem>>
    %dma_start3A_770 = arith.constant 0 : i32
    %dma_start3A_771 = tpu.memref_slice %arg3[%dma_start3A_766, %add3A_752, %dma_start3A_770] : memref<4x4096x2048xf32, #tpu.memory_space<hbm>> -> memref<1x16x2048xf32, #tpu.memory_space<hbm>>
    %dma_start3A_772 = tpu.memref_squeeze %dma_start3A_771 : memref<1x16x2048xf32, #tpu.memory_space<hbm>> -> memref<16x2048xf32, #tpu.memory_space<hbm>>
    %dma_start3A_773 = arith.constant 0 : i32
    %dma_start3A_774 = tpu.memref_slice %arg3[%dma_start3A_766, %add3A_752, %dma_start3A_773] : memref<4x4096x2048xf32, #tpu.memory_space<hbm>> -> memref<1x16x2048xf32, #tpu.memory_space<hbm>>
    %dma_start3A_775 = tpu.memref_squeeze %dma_start3A_774 : memref<1x16x2048xf32, #tpu.memory_space<hbm>> -> memref<16x2048xf32, #tpu.memory_space<hbm>>
    %dma_start3A_776 = arith.constant 0 : i32
    %dma_start3A_777 = arith.constant 0 : i32
    %dma_start3A_778 = tpu.memref_slice %arg4[%dma_start3A_776, %dma_start3A_777] : memref<16x2048xf32, #tpu.memory_space<vmem>> -> memref<16x2048xf32, #tpu.memory_space<vmem>>
    tpu.enqueue_dma source(%dma_start3A_778 : memref<16x2048xf32, #tpu.memory_space<vmem>>) target(%dma_start3A_775 : memref<16x2048xf32, #tpu.memory_space<hbm>>) target_semaphore(%arg10 : memref<!tpu.dma_semaphore, #tpu.memory_space<semaphore_mem>>)
    %dma_start3A_779 = arith.constant 2 : i32
    %dma_start3A_780 = arith.constant 0 : i32
    %dma_start3A_781 = arith.constant 0 : i32
    %dma_start3A_782 = tpu.memref_slice %arg4[%dma_start3A_780, %dma_start3A_781] : memref<16x2048xf32, #tpu.memory_space<vmem>> -> memref<16x2048xf32, #tpu.memory_space<vmem>>
    %dma_start3A_783 = arith.constant 0 : i32
    %dma_start3A_784 = tpu.memref_slice %arg3[%dma_start3A_779, %add3A_752, %dma_start3A_783] : memref<4x4096x2048xf32, #tpu.memory_space<hbm>> -> memref<1x16x2048xf32, #tpu.memory_space<hbm>>
    %dma_start3A_785 = tpu.memref_squeeze %dma_start3A_784 : memref<1x16x2048xf32, #tpu.memory_space<hbm>> -> memref<16x2048xf32, #tpu.memory_space<hbm>>
    %dma_start3A_786 = arith.constant 0 : i32
    %dma_start3A_787 = tpu.memref_slice %arg3[%dma_start3A_779, %add3A_752, %dma_start3A_786] : memref<4x4096x2048xf32, #tpu.memory_space<hbm>> -> memref<1x16x2048xf32, #tpu.memory_space<hbm>>
    %dma_start3A_788 = tpu.memref_squeeze %dma_start3A_787 : memref<1x16x2048xf32, #tpu.memory_space<hbm>> -> memref<16x2048xf32, #tpu.memory_space<hbm>>
    %dma_start3A_789 = arith.constant 0 : i32
    %dma_start3A_790 = arith.constant 0 : i32
    %dma_start3A_791 = tpu.memref_slice %arg4[%dma_start3A_789, %dma_start3A_790] : memref<16x2048xf32, #tpu.memory_space<vmem>> -> memref<16x2048xf32, #tpu.memory_space<vmem>>
    tpu.enqueue_dma source(%dma_start3A_791 : memref<16x2048xf32, #tpu.memory_space<vmem>>) target(%dma_start3A_788 : memref<16x2048xf32, #tpu.memory_space<hbm>>) target_semaphore(%arg10 : memref<!tpu.dma_semaphore, #tpu.memory_space<semaphore_mem>>)
    %dma_start3A_792 = arith.constant 3 : i32
    %dma_start3A_793 = arith.constant 0 : i32
    %dma_start3A_794 = arith.constant 0 : i32
    %dma_start3A_795 = tpu.memref_slice %arg4[%dma_start3A_793, %dma_start3A_794] : memref<16x2048xf32, #tpu.memory_space<vmem>> -> memref<16x2048xf32, #tpu.memory_space<vmem>>
    %dma_start3A_796 = arith.constant 0 : i32
    %dma_start3A_797 = tpu.memref_slice %arg3[%dma_start3A_792, %add3A_752, %dma_start3A_796] : memref<4x4096x2048xf32, #tpu.memory_space<hbm>> -> memref<1x16x2048xf32, #tpu.memory_space<hbm>>
    %dma_start3A_798 = tpu.memref_squeeze %dma_start3A_797 : memref<1x16x2048xf32, #tpu.memory_space<hbm>> -> memref<16x2048xf32, #tpu.memory_space<hbm>>
    %dma_start3A_799 = arith.constant 0 : i32
    %dma_start3A_800 = tpu.memref_slice %arg3[%dma_start3A_792, %add3A_752, %dma_start3A_799] : memref<4x4096x2048xf32, #tpu.memory_space<hbm>> -> memref<1x16x2048xf32, #tpu.memory_space<hbm>>
    %dma_start3A_801 = tpu.memref_squeeze %dma_start3A_800 : memref<1x16x2048xf32, #tpu.memory_space<hbm>> -> memref<16x2048xf32, #tpu.memory_space<hbm>>
    %dma_start3A_802 = arith.constant 0 : i32
    %dma_start3A_803 = arith.constant 0 : i32
    %dma_start3A_804 = tpu.memref_slice %arg4[%dma_start3A_802, %dma_start3A_803] : memref<16x2048xf32, #tpu.memory_space<vmem>> -> memref<16x2048xf32, #tpu.memory_space<vmem>>
    tpu.enqueue_dma source(%dma_start3A_804 : memref<16x2048xf32, #tpu.memory_space<vmem>>) target(%dma_start3A_801 : memref<16x2048xf32, #tpu.memory_space<hbm>>) target_semaphore(%arg10 : memref<!tpu.dma_semaphore, #tpu.memory_space<semaphore_mem>>)
    %dma_wait3A_805 = arith.constant 0 : i32
    %dma_wait3A_806 = arith.constant 0 : i32
    %dma_wait3A_807 = tpu.memref_slice %arg5[%dma_wait3A_805, %dma_wait3A_806] : memref<16x2048xf32, #tpu.memory_space<vmem>> -> memref<16x2048xf32, #tpu.memory_space<vmem>>
    %dma_wait3A_808 = arith.constant 0 : i32
    %dma_wait3A_809 = tpu.memref_slice %arg2[%add3A_666, %dma_wait3A_808] : memref<8192x2048xf32, #tpu.memory_space<hbm>> -> memref<16x2048xf32, #tpu.memory_space<hbm>>
    %dma_wait3A_810 = arith.constant 0 : i32
    %dma_wait3A_811 = arith.constant 0 : i32
    %dma_wait3A_812 = tpu.memref_slice %arg5[%dma_wait3A_810, %dma_wait3A_811] : memref<16x2048xf32, #tpu.memory_space<vmem>> -> memref<16x2048xf32, #tpu.memory_space<vmem>>
    %dma_wait3A_813 = arith.constant 0 : i32
    %dma_wait3A_814 = tpu.memref_slice %arg2[%add3A_666, %dma_wait3A_813] : memref<8192x2048xf32, #tpu.memory_space<hbm>> -> memref<16x2048xf32, #tpu.memory_space<hbm>>
    tpu.wait_dma2 semaphore(%arg8 : memref<!tpu.dma_semaphore, #tpu.memory_space<semaphore_mem>>) src(%dma_wait3A_814 : memref<16x2048xf32, #tpu.memory_space<hbm>>) dst(%dma_wait3A_812 : memref<16x2048xf32, #tpu.memory_space<vmem>>)
    %add3A_815 = arith.constant 112 : i32
    %add3A_816 = arith.addi %mul3A_2, %add3A_815 : i32
    %dma_start3A_817 = arith.constant 0 : i32
    %dma_start3A_818 = arith.constant 0 : i32
    %dma_start3A_819 = arith.constant 0 : i32
    %dma_start3A_820 = tpu.memref_slice %arg5[%dma_start3A_818, %dma_start3A_819] : memref<16x2048xf32, #tpu.memory_space<vmem>> -> memref<16x2048xf32, #tpu.memory_space<vmem>>
    %dma_start3A_821 = arith.constant 0 : i32
    %dma_start3A_822 = tpu.memref_slice %arg3[%dma_start3A_817, %add3A_816, %dma_start3A_821] : memref<4x4096x2048xf32, #tpu.memory_space<hbm>> -> memref<1x16x2048xf32, #tpu.memory_space<hbm>>
    %dma_start3A_823 = tpu.memref_squeeze %dma_start3A_822 : memref<1x16x2048xf32, #tpu.memory_space<hbm>> -> memref<16x2048xf32, #tpu.memory_space<hbm>>
    %dma_start3A_824 = arith.constant 0 : i32
    %dma_start3A_825 = tpu.memref_slice %arg3[%dma_start3A_817, %add3A_816, %dma_start3A_824] : memref<4x4096x2048xf32, #tpu.memory_space<hbm>> -> memref<1x16x2048xf32, #tpu.memory_space<hbm>>
    %dma_start3A_826 = tpu.memref_squeeze %dma_start3A_825 : memref<1x16x2048xf32, #tpu.memory_space<hbm>> -> memref<16x2048xf32, #tpu.memory_space<hbm>>
    %dma_start3A_827 = arith.constant 0 : i32
    %dma_start3A_828 = arith.constant 0 : i32
    %dma_start3A_829 = tpu.memref_slice %arg5[%dma_start3A_827, %dma_start3A_828] : memref<16x2048xf32, #tpu.memory_space<vmem>> -> memref<16x2048xf32, #tpu.memory_space<vmem>>
    tpu.enqueue_dma source(%dma_start3A_829 : memref<16x2048xf32, #tpu.memory_space<vmem>>) target(%dma_start3A_826 : memref<16x2048xf32, #tpu.memory_space<hbm>>) target_semaphore(%arg11 : memref<!tpu.dma_semaphore, #tpu.memory_space<semaphore_mem>>)
    %dma_start3A_830 = arith.constant 1 : i32
    %dma_start3A_831 = arith.constant 0 : i32
    %dma_start3A_832 = arith.constant 0 : i32
    %dma_start3A_833 = tpu.memref_slice %arg5[%dma_start3A_831, %dma_start3A_832] : memref<16x2048xf32, #tpu.memory_space<vmem>> -> memref<16x2048xf32, #tpu.memory_space<vmem>>
    %dma_start3A_834 = arith.constant 0 : i32
    %dma_start3A_835 = tpu.memref_slice %arg3[%dma_start3A_830, %add3A_816, %dma_start3A_834] : memref<4x4096x2048xf32, #tpu.memory_space<hbm>> -> memref<1x16x2048xf32, #tpu.memory_space<hbm>>
    %dma_start3A_836 = tpu.memref_squeeze %dma_start3A_835 : memref<1x16x2048xf32, #tpu.memory_space<hbm>> -> memref<16x2048xf32, #tpu.memory_space<hbm>>
    %dma_start3A_837 = arith.constant 0 : i32
    %dma_start3A_838 = tpu.memref_slice %arg3[%dma_start3A_830, %add3A_816, %dma_start3A_837] : memref<4x4096x2048xf32, #tpu.memory_space<hbm>> -> memref<1x16x2048xf32, #tpu.memory_space<hbm>>
    %dma_start3A_839 = tpu.memref_squeeze %dma_start3A_838 : memref<1x16x2048xf32, #tpu.memory_space<hbm>> -> memref<16x2048xf32, #tpu.memory_space<hbm>>
    %dma_start3A_840 = arith.constant 0 : i32
    %dma_start3A_841 = arith.constant 0 : i32
    %dma_start3A_842 = tpu.memref_slice %arg5[%dma_start3A_840, %dma_start3A_841] : memref<16x2048xf32, #tpu.memory_space<vmem>> -> memref<16x2048xf32, #tpu.memory_space<vmem>>
    tpu.enqueue_dma source(%dma_start3A_842 : memref<16x2048xf32, #tpu.memory_space<vmem>>) target(%dma_start3A_839 : memref<16x2048xf32, #tpu.memory_space<hbm>>) target_semaphore(%arg11 : memref<!tpu.dma_semaphore, #tpu.memory_space<semaphore_mem>>)
    %dma_start3A_843 = arith.constant 2 : i32
    %dma_start3A_844 = arith.constant 0 : i32
    %dma_start3A_845 = arith.constant 0 : i32
    %dma_start3A_846 = tpu.memref_slice %arg5[%dma_start3A_844, %dma_start3A_845] : memref<16x2048xf32, #tpu.memory_space<vmem>> -> memref<16x2048xf32, #tpu.memory_space<vmem>>
    %dma_start3A_847 = arith.constant 0 : i32
    %dma_start3A_848 = tpu.memref_slice %arg3[%dma_start3A_843, %add3A_816, %dma_start3A_847] : memref<4x4096x2048xf32, #tpu.memory_space<hbm>> -> memref<1x16x2048xf32, #tpu.memory_space<hbm>>
    %dma_start3A_849 = tpu.memref_squeeze %dma_start3A_848 : memref<1x16x2048xf32, #tpu.memory_space<hbm>> -> memref<16x2048xf32, #tpu.memory_space<hbm>>
    %dma_start3A_850 = arith.constant 0 : i32
    %dma_start3A_851 = tpu.memref_slice %arg3[%dma_start3A_843, %add3A_816, %dma_start3A_850] : memref<4x4096x2048xf32, #tpu.memory_space<hbm>> -> memref<1x16x2048xf32, #tpu.memory_space<hbm>>
    %dma_start3A_852 = tpu.memref_squeeze %dma_start3A_851 : memref<1x16x2048xf32, #tpu.memory_space<hbm>> -> memref<16x2048xf32, #tpu.memory_space<hbm>>
    %dma_start3A_853 = arith.constant 0 : i32
    %dma_start3A_854 = arith.constant 0 : i32
    %dma_start3A_855 = tpu.memref_slice %arg5[%dma_start3A_853, %dma_start3A_854] : memref<16x2048xf32, #tpu.memory_space<vmem>> -> memref<16x2048xf32, #tpu.memory_space<vmem>>
    tpu.enqueue_dma source(%dma_start3A_855 : memref<16x2048xf32, #tpu.memory_space<vmem>>) target(%dma_start3A_852 : memref<16x2048xf32, #tpu.memory_space<hbm>>) target_semaphore(%arg11 : memref<!tpu.dma_semaphore, #tpu.memory_space<semaphore_mem>>)
    %dma_start3A_856 = arith.constant 3 : i32
    %dma_start3A_857 = arith.constant 0 : i32
    %dma_start3A_858 = arith.constant 0 : i32
    %dma_start3A_859 = tpu.memref_slice %arg5[%dma_start3A_857, %dma_start3A_858] : memref<16x2048xf32, #tpu.memory_space<vmem>> -> memref<16x2048xf32, #tpu.memory_space<vmem>>
    %dma_start3A_860 = arith.constant 0 : i32
    %dma_start3A_861 = tpu.memref_slice %arg3[%dma_start3A_856, %add3A_816, %dma_start3A_860] : memref<4x4096x2048xf32, #tpu.memory_space<hbm>> -> memref<1x16x2048xf32, #tpu.memory_space<hbm>>
    %dma_start3A_862 = tpu.memref_squeeze %dma_start3A_861 : memref<1x16x2048xf32, #tpu.memory_space<hbm>> -> memref<16x2048xf32, #tpu.memory_space<hbm>>
    %dma_start3A_863 = arith.constant 0 : i32
    %dma_start3A_864 = tpu.memref_slice %arg3[%dma_start3A_856, %add3A_816, %dma_start3A_863] : memref<4x4096x2048xf32, #tpu.memory_space<hbm>> -> memref<1x16x2048xf32, #tpu.memory_space<hbm>>
    %dma_start3A_865 = tpu.memref_squeeze %dma_start3A_864 : memref<1x16x2048xf32, #tpu.memory_space<hbm>> -> memref<16x2048xf32, #tpu.memory_space<hbm>>
    %dma_start3A_866 = arith.constant 0 : i32
    %dma_start3A_867 = arith.constant 0 : i32
    %dma_start3A_868 = tpu.memref_slice %arg5[%dma_start3A_866, %dma_start3A_867] : memref<16x2048xf32, #tpu.memory_space<vmem>> -> memref<16x2048xf32, #tpu.memory_space<vmem>>
    tpu.enqueue_dma source(%dma_start3A_868 : memref<16x2048xf32, #tpu.memory_space<vmem>>) target(%dma_start3A_865 : memref<16x2048xf32, #tpu.memory_space<hbm>>) target_semaphore(%arg11 : memref<!tpu.dma_semaphore, #tpu.memory_space<semaphore_mem>>)
    %dma_wait3A_869 = arith.constant 0 : i32
    %dma_wait3A_870 = arith.constant 0 : i32
    %dma_wait3A_871 = arith.constant 0 : i32
    %dma_wait3A_872 = tpu.memref_slice %arg6[%dma_wait3A_870, %dma_wait3A_871] : memref<16x2048xf32, #tpu.memory_space<vmem>> -> memref<16x2048xf32, #tpu.memory_space<vmem>>
    %dma_wait3A_873 = arith.constant 0 : i32
    %dma_wait3A_874 = tpu.memref_slice %arg3[%dma_wait3A_869, %add3A_688, %dma_wait3A_873] : memref<4x4096x2048xf32, #tpu.memory_space<hbm>> -> memref<1x16x2048xf32, #tpu.memory_space<hbm>>
    %dma_wait3A_875 = tpu.memref_squeeze %dma_wait3A_874 : memref<1x16x2048xf32, #tpu.memory_space<hbm>> -> memref<16x2048xf32, #tpu.memory_space<hbm>>
    %dma_wait3A_876 = arith.constant 0 : i32
    %dma_wait3A_877 = tpu.memref_slice %arg3[%dma_wait3A_869, %add3A_688, %dma_wait3A_876] : memref<4x4096x2048xf32, #tpu.memory_space<hbm>> -> memref<1x16x2048xf32, #tpu.memory_space<hbm>>
    %dma_wait3A_878 = tpu.memref_squeeze %dma_wait3A_877 : memref<1x16x2048xf32, #tpu.memory_space<hbm>> -> memref<16x2048xf32, #tpu.memory_space<hbm>>
    %dma_wait3A_879 = arith.constant 0 : i32
    %dma_wait3A_880 = arith.constant 0 : i32
    %dma_wait3A_881 = tpu.memref_slice %arg6[%dma_wait3A_879, %dma_wait3A_880] : memref<16x2048xf32, #tpu.memory_space<vmem>> -> memref<16x2048xf32, #tpu.memory_space<vmem>>
    tpu.wait_dma2 semaphore(%arg12 : memref<!tpu.dma_semaphore, #tpu.memory_space<semaphore_mem>>) src(%dma_wait3A_881 : memref<16x2048xf32, #tpu.memory_space<vmem>>) dst(%dma_wait3A_878 : memref<16x2048xf32, #tpu.memory_space<hbm>>)
    %dma_wait3A_882 = arith.constant 1 : i32
    %dma_wait3A_883 = arith.constant 0 : i32
    %dma_wait3A_884 = arith.constant 0 : i32
    %dma_wait3A_885 = tpu.memref_slice %arg6[%dma_wait3A_883, %dma_wait3A_884] : memref<16x2048xf32, #tpu.memory_space<vmem>> -> memref<16x2048xf32, #tpu.memory_space<vmem>>
    %dma_wait3A_886 = arith.constant 0 : i32
    %dma_wait3A_887 = tpu.memref_slice %arg3[%dma_wait3A_882, %add3A_688, %dma_wait3A_886] : memref<4x4096x2048xf32, #tpu.memory_space<hbm>> -> memref<1x16x2048xf32, #tpu.memory_space<hbm>>
    %dma_wait3A_888 = tpu.memref_squeeze %dma_wait3A_887 : memref<1x16x2048xf32, #tpu.memory_space<hbm>> -> memref<16x2048xf32, #tpu.memory_space<hbm>>
    %dma_wait3A_889 = arith.constant 0 : i32
    %dma_wait3A_890 = tpu.memref_slice %arg3[%dma_wait3A_882, %add3A_688, %dma_wait3A_889] : memref<4x4096x2048xf32, #tpu.memory_space<hbm>> -> memref<1x16x2048xf32, #tpu.memory_space<hbm>>
    %dma_wait3A_891 = tpu.memref_squeeze %dma_wait3A_890 : memref<1x16x2048xf32, #tpu.memory_space<hbm>> -> memref<16x2048xf32, #tpu.memory_space<hbm>>
    %dma_wait3A_892 = arith.constant 0 : i32
    %dma_wait3A_893 = arith.constant 0 : i32
    %dma_wait3A_894 = tpu.memref_slice %arg6[%dma_wait3A_892, %dma_wait3A_893] : memref<16x2048xf32, #tpu.memory_space<vmem>> -> memref<16x2048xf32, #tpu.memory_space<vmem>>
    tpu.wait_dma2 semaphore(%arg12 : memref<!tpu.dma_semaphore, #tpu.memory_space<semaphore_mem>>) src(%dma_wait3A_894 : memref<16x2048xf32, #tpu.memory_space<vmem>>) dst(%dma_wait3A_891 : memref<16x2048xf32, #tpu.memory_space<hbm>>)
    %dma_wait3A_895 = arith.constant 2 : i32
    %dma_wait3A_896 = arith.constant 0 : i32
    %dma_wait3A_897 = arith.constant 0 : i32
    %dma_wait3A_898 = tpu.memref_slice %arg6[%dma_wait3A_896, %dma_wait3A_897] : memref<16x2048xf32, #tpu.memory_space<vmem>> -> memref<16x2048xf32, #tpu.memory_space<vmem>>
    %dma_wait3A_899 = arith.constant 0 : i32
    %dma_wait3A_900 = tpu.memref_slice %arg3[%dma_wait3A_895, %add3A_688, %dma_wait3A_899] : memref<4x4096x2048xf32, #tpu.memory_space<hbm>> -> memref<1x16x2048xf32, #tpu.memory_space<hbm>>
    %dma_wait3A_901 = tpu.memref_squeeze %dma_wait3A_900 : memref<1x16x2048xf32, #tpu.memory_space<hbm>> -> memref<16x2048xf32, #tpu.memory_space<hbm>>
    %dma_wait3A_902 = arith.constant 0 : i32
    %dma_wait3A_903 = tpu.memref_slice %arg3[%dma_wait3A_895, %add3A_688, %dma_wait3A_902] : memref<4x4096x2048xf32, #tpu.memory_space<hbm>> -> memref<1x16x2048xf32, #tpu.memory_space<hbm>>
    %dma_wait3A_904 = tpu.memref_squeeze %dma_wait3A_903 : memref<1x16x2048xf32, #tpu.memory_space<hbm>> -> memref<16x2048xf32, #tpu.memory_space<hbm>>
    %dma_wait3A_905 = arith.constant 0 : i32
    %dma_wait3A_906 = arith.constant 0 : i32
    %dma_wait3A_907 = tpu.memref_slice %arg6[%dma_wait3A_905, %dma_wait3A_906] : memref<16x2048xf32, #tpu.memory_space<vmem>> -> memref<16x2048xf32, #tpu.memory_space<vmem>>
    tpu.wait_dma2 semaphore(%arg12 : memref<!tpu.dma_semaphore, #tpu.memory_space<semaphore_mem>>) src(%dma_wait3A_907 : memref<16x2048xf32, #tpu.memory_space<vmem>>) dst(%dma_wait3A_904 : memref<16x2048xf32, #tpu.memory_space<hbm>>)
    %dma_wait3A_908 = arith.constant 3 : i32
    %dma_wait3A_909 = arith.constant 0 : i32
    %dma_wait3A_910 = arith.constant 0 : i32
    %dma_wait3A_911 = tpu.memref_slice %arg6[%dma_wait3A_909, %dma_wait3A_910] : memref<16x2048xf32, #tpu.memory_space<vmem>> -> memref<16x2048xf32, #tpu.memory_space<vmem>>
    %dma_wait3A_912 = arith.constant 0 : i32
    %dma_wait3A_913 = tpu.memref_slice %arg3[%dma_wait3A_908, %add3A_688, %dma_wait3A_912] : memref<4x4096x2048xf32, #tpu.memory_space<hbm>> -> memref<1x16x2048xf32, #tpu.memory_space<hbm>>
    %dma_wait3A_914 = tpu.memref_squeeze %dma_wait3A_913 : memref<1x16x2048xf32, #tpu.memory_space<hbm>> -> memref<16x2048xf32, #tpu.memory_space<hbm>>
    %dma_wait3A_915 = arith.constant 0 : i32
    %dma_wait3A_916 = tpu.memref_slice %arg3[%dma_wait3A_908, %add3A_688, %dma_wait3A_915] : memref<4x4096x2048xf32, #tpu.memory_space<hbm>> -> memref<1x16x2048xf32, #tpu.memory_space<hbm>>
    %dma_wait3A_917 = tpu.memref_squeeze %dma_wait3A_916 : memref<1x16x2048xf32, #tpu.memory_space<hbm>> -> memref<16x2048xf32, #tpu.memory_space<hbm>>
    %dma_wait3A_918 = arith.constant 0 : i32
    %dma_wait3A_919 = arith.constant 0 : i32
    %dma_wait3A_920 = tpu.memref_slice %arg6[%dma_wait3A_918, %dma_wait3A_919] : memref<16x2048xf32, #tpu.memory_space<vmem>> -> memref<16x2048xf32, #tpu.memory_space<vmem>>
    tpu.wait_dma2 semaphore(%arg12 : memref<!tpu.dma_semaphore, #tpu.memory_space<semaphore_mem>>) src(%dma_wait3A_920 : memref<16x2048xf32, #tpu.memory_space<vmem>>) dst(%dma_wait3A_917 : memref<16x2048xf32, #tpu.memory_space<hbm>>)
    %dma_wait3A_921 = arith.constant 0 : i32
    %dma_wait3A_922 = arith.constant 0 : i32
    %dma_wait3A_923 = arith.constant 0 : i32
    %dma_wait3A_924 = tpu.memref_slice %arg4[%dma_wait3A_922, %dma_wait3A_923] : memref<16x2048xf32, #tpu.memory_space<vmem>> -> memref<16x2048xf32, #tpu.memory_space<vmem>>
    %dma_wait3A_925 = arith.constant 0 : i32
    %dma_wait3A_926 = tpu.memref_slice %arg3[%dma_wait3A_921, %add3A_752, %dma_wait3A_925] : memref<4x4096x2048xf32, #tpu.memory_space<hbm>> -> memref<1x16x2048xf32, #tpu.memory_space<hbm>>
    %dma_wait3A_927 = tpu.memref_squeeze %dma_wait3A_926 : memref<1x16x2048xf32, #tpu.memory_space<hbm>> -> memref<16x2048xf32, #tpu.memory_space<hbm>>
    %dma_wait3A_928 = arith.constant 0 : i32
    %dma_wait3A_929 = tpu.memref_slice %arg3[%dma_wait3A_921, %add3A_752, %dma_wait3A_928] : memref<4x4096x2048xf32, #tpu.memory_space<hbm>> -> memref<1x16x2048xf32, #tpu.memory_space<hbm>>
    %dma_wait3A_930 = tpu.memref_squeeze %dma_wait3A_929 : memref<1x16x2048xf32, #tpu.memory_space<hbm>> -> memref<16x2048xf32, #tpu.memory_space<hbm>>
    %dma_wait3A_931 = arith.constant 0 : i32
    %dma_wait3A_932 = arith.constant 0 : i32
    %dma_wait3A_933 = tpu.memref_slice %arg4[%dma_wait3A_931, %dma_wait3A_932] : memref<16x2048xf32, #tpu.memory_space<vmem>> -> memref<16x2048xf32, #tpu.memory_space<vmem>>
    tpu.wait_dma2 semaphore(%arg10 : memref<!tpu.dma_semaphore, #tpu.memory_space<semaphore_mem>>) src(%dma_wait3A_933 : memref<16x2048xf32, #tpu.memory_space<vmem>>) dst(%dma_wait3A_930 : memref<16x2048xf32, #tpu.memory_space<hbm>>)
    %dma_wait3A_934 = arith.constant 1 : i32
    %dma_wait3A_935 = arith.constant 0 : i32
    %dma_wait3A_936 = arith.constant 0 : i32
    %dma_wait3A_937 = tpu.memref_slice %arg4[%dma_wait3A_935, %dma_wait3A_936] : memref<16x2048xf32, #tpu.memory_space<vmem>> -> memref<16x2048xf32, #tpu.memory_space<vmem>>
    %dma_wait3A_938 = arith.constant 0 : i32
    %dma_wait3A_939 = tpu.memref_slice %arg3[%dma_wait3A_934, %add3A_752, %dma_wait3A_938] : memref<4x4096x2048xf32, #tpu.memory_space<hbm>> -> memref<1x16x2048xf32, #tpu.memory_space<hbm>>
    %dma_wait3A_940 = tpu.memref_squeeze %dma_wait3A_939 : memref<1x16x2048xf32, #tpu.memory_space<hbm>> -> memref<16x2048xf32, #tpu.memory_space<hbm>>
    %dma_wait3A_941 = arith.constant 0 : i32
    %dma_wait3A_942 = tpu.memref_slice %arg3[%dma_wait3A_934, %add3A_752, %dma_wait3A_941] : memref<4x4096x2048xf32, #tpu.memory_space<hbm>> -> memref<1x16x2048xf32, #tpu.memory_space<hbm>>
    %dma_wait3A_943 = tpu.memref_squeeze %dma_wait3A_942 : memref<1x16x2048xf32, #tpu.memory_space<hbm>> -> memref<16x2048xf32, #tpu.memory_space<hbm>>
    %dma_wait3A_944 = arith.constant 0 : i32
    %dma_wait3A_945 = arith.constant 0 : i32
    %dma_wait3A_946 = tpu.memref_slice %arg4[%dma_wait3A_944, %dma_wait3A_945] : memref<16x2048xf32, #tpu.memory_space<vmem>> -> memref<16x2048xf32, #tpu.memory_space<vmem>>
    tpu.wait_dma2 semaphore(%arg10 : memref<!tpu.dma_semaphore, #tpu.memory_space<semaphore_mem>>) src(%dma_wait3A_946 : memref<16x2048xf32, #tpu.memory_space<vmem>>) dst(%dma_wait3A_943 : memref<16x2048xf32, #tpu.memory_space<hbm>>)
    %dma_wait3A_947 = arith.constant 2 : i32
    %dma_wait3A_948 = arith.constant 0 : i32
    %dma_wait3A_949 = arith.constant 0 : i32
    %dma_wait3A_950 = tpu.memref_slice %arg4[%dma_wait3A_948, %dma_wait3A_949] : memref<16x2048xf32, #tpu.memory_space<vmem>> -> memref<16x2048xf32, #tpu.memory_space<vmem>>
    %dma_wait3A_951 = arith.constant 0 : i32
    %dma_wait3A_952 = tpu.memref_slice %arg3[%dma_wait3A_947, %add3A_752, %dma_wait3A_951] : memref<4x4096x2048xf32, #tpu.memory_space<hbm>> -> memref<1x16x2048xf32, #tpu.memory_space<hbm>>
    %dma_wait3A_953 = tpu.memref_squeeze %dma_wait3A_952 : memref<1x16x2048xf32, #tpu.memory_space<hbm>> -> memref<16x2048xf32, #tpu.memory_space<hbm>>
    %dma_wait3A_954 = arith.constant 0 : i32
    %dma_wait3A_955 = tpu.memref_slice %arg3[%dma_wait3A_947, %add3A_752, %dma_wait3A_954] : memref<4x4096x2048xf32, #tpu.memory_space<hbm>> -> memref<1x16x2048xf32, #tpu.memory_space<hbm>>
    %dma_wait3A_956 = tpu.memref_squeeze %dma_wait3A_955 : memref<1x16x2048xf32, #tpu.memory_space<hbm>> -> memref<16x2048xf32, #tpu.memory_space<hbm>>
    %dma_wait3A_957 = arith.constant 0 : i32
    %dma_wait3A_958 = arith.constant 0 : i32
    %dma_wait3A_959 = tpu.memref_slice %arg4[%dma_wait3A_957, %dma_wait3A_958] : memref<16x2048xf32, #tpu.memory_space<vmem>> -> memref<16x2048xf32, #tpu.memory_space<vmem>>
    tpu.wait_dma2 semaphore(%arg10 : memref<!tpu.dma_semaphore, #tpu.memory_space<semaphore_mem>>) src(%dma_wait3A_959 : memref<16x2048xf32, #tpu.memory_space<vmem>>) dst(%dma_wait3A_956 : memref<16x2048xf32, #tpu.memory_space<hbm>>)
    %dma_wait3A_960 = arith.constant 3 : i32
    %dma_wait3A_961 = arith.constant 0 : i32
    %dma_wait3A_962 = arith.constant 0 : i32
    %dma_wait3A_963 = tpu.memref_slice %arg4[%dma_wait3A_961, %dma_wait3A_962] : memref<16x2048xf32, #tpu.memory_space<vmem>> -> memref<16x2048xf32, #tpu.memory_space<vmem>>
    %dma_wait3A_964 = arith.constant 0 : i32
    %dma_wait3A_965 = tpu.memref_slice %arg3[%dma_wait3A_960, %add3A_752, %dma_wait3A_964] : memref<4x4096x2048xf32, #tpu.memory_space<hbm>> -> memref<1x16x2048xf32, #tpu.memory_space<hbm>>
    %dma_wait3A_966 = tpu.memref_squeeze %dma_wait3A_965 : memref<1x16x2048xf32, #tpu.memory_space<hbm>> -> memref<16x2048xf32, #tpu.memory_space<hbm>>
    %dma_wait3A_967 = arith.constant 0 : i32
    %dma_wait3A_968 = tpu.memref_slice %arg3[%dma_wait3A_960, %add3A_752, %dma_wait3A_967] : memref<4x4096x2048xf32, #tpu.memory_space<hbm>> -> memref<1x16x2048xf32, #tpu.memory_space<hbm>>
    %dma_wait3A_969 = tpu.memref_squeeze %dma_wait3A_968 : memref<1x16x2048xf32, #tpu.memory_space<hbm>> -> memref<16x2048xf32, #tpu.memory_space<hbm>>
    %dma_wait3A_970 = arith.constant 0 : i32
    %dma_wait3A_971 = arith.constant 0 : i32
    %dma_wait3A_972 = tpu.memref_slice %arg4[%dma_wait3A_970, %dma_wait3A_971] : memref<16x2048xf32, #tpu.memory_space<vmem>> -> memref<16x2048xf32, #tpu.memory_space<vmem>>
    tpu.wait_dma2 semaphore(%arg10 : memref<!tpu.dma_semaphore, #tpu.memory_space<semaphore_mem>>) src(%dma_wait3A_972 : memref<16x2048xf32, #tpu.memory_space<vmem>>) dst(%dma_wait3A_969 : memref<16x2048xf32, #tpu.memory_space<hbm>>)
    %dma_wait3A_973 = arith.constant 0 : i32
    %dma_wait3A_974 = arith.constant 0 : i32
    %dma_wait3A_975 = arith.constant 0 : i32
    %dma_wait3A_976 = tpu.memref_slice %arg5[%dma_wait3A_974, %dma_wait3A_975] : memref<16x2048xf32, #tpu.memory_space<vmem>> -> memref<16x2048xf32, #tpu.memory_space<vmem>>
    %dma_wait3A_977 = arith.constant 0 : i32
    %dma_wait3A_978 = tpu.memref_slice %arg3[%dma_wait3A_973, %add3A_816, %dma_wait3A_977] : memref<4x4096x2048xf32, #tpu.memory_space<hbm>> -> memref<1x16x2048xf32, #tpu.memory_space<hbm>>
    %dma_wait3A_979 = tpu.memref_squeeze %dma_wait3A_978 : memref<1x16x2048xf32, #tpu.memory_space<hbm>> -> memref<16x2048xf32, #tpu.memory_space<hbm>>
    %dma_wait3A_980 = arith.constant 0 : i32
    %dma_wait3A_981 = tpu.memref_slice %arg3[%dma_wait3A_973, %add3A_816, %dma_wait3A_980] : memref<4x4096x2048xf32, #tpu.memory_space<hbm>> -> memref<1x16x2048xf32, #tpu.memory_space<hbm>>
    %dma_wait3A_982 = tpu.memref_squeeze %dma_wait3A_981 : memref<1x16x2048xf32, #tpu.memory_space<hbm>> -> memref<16x2048xf32, #tpu.memory_space<hbm>>
    %dma_wait3A_983 = arith.constant 0 : i32
    %dma_wait3A_984 = arith.constant 0 : i32
    %dma_wait3A_985 = tpu.memref_slice %arg5[%dma_wait3A_983, %dma_wait3A_984] : memref<16x2048xf32, #tpu.memory_space<vmem>> -> memref<16x2048xf32, #tpu.memory_space<vmem>>
    tpu.wait_dma2 semaphore(%arg11 : memref<!tpu.dma_semaphore, #tpu.memory_space<semaphore_mem>>) src(%dma_wait3A_985 : memref<16x2048xf32, #tpu.memory_space<vmem>>) dst(%dma_wait3A_982 : memref<16x2048xf32, #tpu.memory_space<hbm>>)
    %dma_wait3A_986 = arith.constant 1 : i32
    %dma_wait3A_987 = arith.constant 0 : i32
    %dma_wait3A_988 = arith.constant 0 : i32
    %dma_wait3A_989 = tpu.memref_slice %arg5[%dma_wait3A_987, %dma_wait3A_988] : memref<16x2048xf32, #tpu.memory_space<vmem>> -> memref<16x2048xf32, #tpu.memory_space<vmem>>
    %dma_wait3A_990 = arith.constant 0 : i32
    %dma_wait3A_991 = tpu.memref_slice %arg3[%dma_wait3A_986, %add3A_816, %dma_wait3A_990] : memref<4x4096x2048xf32, #tpu.memory_space<hbm>> -> memref<1x16x2048xf32, #tpu.memory_space<hbm>>
    %dma_wait3A_992 = tpu.memref_squeeze %dma_wait3A_991 : memref<1x16x2048xf32, #tpu.memory_space<hbm>> -> memref<16x2048xf32, #tpu.memory_space<hbm>>
    %dma_wait3A_993 = arith.constant 0 : i32
    %dma_wait3A_994 = tpu.memref_slice %arg3[%dma_wait3A_986, %add3A_816, %dma_wait3A_993] : memref<4x4096x2048xf32, #tpu.memory_space<hbm>> -> memref<1x16x2048xf32, #tpu.memory_space<hbm>>
    %dma_wait3A_995 = tpu.memref_squeeze %dma_wait3A_994 : memref<1x16x2048xf32, #tpu.memory_space<hbm>> -> memref<16x2048xf32, #tpu.memory_space<hbm>>
    %dma_wait3A_996 = arith.constant 0 : i32
    %dma_wait3A_997 = arith.constant 0 : i32
    %dma_wait3A_998 = tpu.memref_slice %arg5[%dma_wait3A_996, %dma_wait3A_997] : memref<16x2048xf32, #tpu.memory_space<vmem>> -> memref<16x2048xf32, #tpu.memory_space<vmem>>
    tpu.wait_dma2 semaphore(%arg11 : memref<!tpu.dma_semaphore, #tpu.memory_space<semaphore_mem>>) src(%dma_wait3A_998 : memref<16x2048xf32, #tpu.memory_space<vmem>>) dst(%dma_wait3A_995 : memref<16x2048xf32, #tpu.memory_space<hbm>>)
    %dma_wait3A_999 = arith.constant 2 : i32
    %dma_wait3A_1000 = arith.constant 0 : i32
    %dma_wait3A_1001 = arith.constant 0 : i32
    %dma_wait3A_1002 = tpu.memref_slice %arg5[%dma_wait3A_1000, %dma_wait3A_1001] : memref<16x2048xf32, #tpu.memory_space<vmem>> -> memref<16x2048xf32, #tpu.memory_space<vmem>>
    %dma_wait3A_1003 = arith.constant 0 : i32
    %dma_wait3A_1004 = tpu.memref_slice %arg3[%dma_wait3A_999, %add3A_816, %dma_wait3A_1003] : memref<4x4096x2048xf32, #tpu.memory_space<hbm>> -> memref<1x16x2048xf32, #tpu.memory_space<hbm>>
    %dma_wait3A_1005 = tpu.memref_squeeze %dma_wait3A_1004 : memref<1x16x2048xf32, #tpu.memory_space<hbm>> -> memref<16x2048xf32, #tpu.memory_space<hbm>>
    %dma_wait3A_1006 = arith.constant 0 : i32
    %dma_wait3A_1007 = tpu.memref_slice %arg3[%dma_wait3A_999, %add3A_816, %dma_wait3A_1006] : memref<4x4096x2048xf32, #tpu.memory_space<hbm>> -> memref<1x16x2048xf32, #tpu.memory_space<hbm>>
    %dma_wait3A_1008 = tpu.memref_squeeze %dma_wait3A_1007 : memref<1x16x2048xf32, #tpu.memory_space<hbm>> -> memref<16x2048xf32, #tpu.memory_space<hbm>>
    %dma_wait3A_1009 = arith.constant 0 : i32
    %dma_wait3A_1010 = arith.constant 0 : i32
    %dma_wait3A_1011 = tpu.memref_slice %arg5[%dma_wait3A_1009, %dma_wait3A_1010] : memref<16x2048xf32, #tpu.memory_space<vmem>> -> memref<16x2048xf32, #tpu.memory_space<vmem>>
    tpu.wait_dma2 semaphore(%arg11 : memref<!tpu.dma_semaphore, #tpu.memory_space<semaphore_mem>>) src(%dma_wait3A_1011 : memref<16x2048xf32, #tpu.memory_space<vmem>>) dst(%dma_wait3A_1008 : memref<16x2048xf32, #tpu.memory_space<hbm>>)
    %dma_wait3A_1012 = arith.constant 3 : i32
    %dma_wait3A_1013 = arith.constant 0 : i32
    %dma_wait3A_1014 = arith.constant 0 : i32
    %dma_wait3A_1015 = tpu.memref_slice %arg5[%dma_wait3A_1013, %dma_wait3A_1014] : memref<16x2048xf32, #tpu.memory_space<vmem>> -> memref<16x2048xf32, #tpu.memory_space<vmem>>
    %dma_wait3A_1016 = arith.constant 0 : i32
    %dma_wait3A_1017 = tpu.memref_slice %arg3[%dma_wait3A_1012, %add3A_816, %dma_wait3A_1016] : memref<4x4096x2048xf32, #tpu.memory_space<hbm>> -> memref<1x16x2048xf32, #tpu.memory_space<hbm>>
    %dma_wait3A_1018 = tpu.memref_squeeze %dma_wait3A_1017 : memref<1x16x2048xf32, #tpu.memory_space<hbm>> -> memref<16x2048xf32, #tpu.memory_space<hbm>>
    %dma_wait3A_1019 = arith.constant 0 : i32
    %dma_wait3A_1020 = tpu.memref_slice %arg3[%dma_wait3A_1012, %add3A_816, %dma_wait3A_1019] : memref<4x4096x2048xf32, #tpu.memory_space<hbm>> -> memref<1x16x2048xf32, #tpu.memory_space<hbm>>
    %dma_wait3A_1021 = tpu.memref_squeeze %dma_wait3A_1020 : memref<1x16x2048xf32, #tpu.memory_space<hbm>> -> memref<16x2048xf32, #tpu.memory_space<hbm>>
    %dma_wait3A_1022 = arith.constant 0 : i32
    %dma_wait3A_1023 = arith.constant 0 : i32
    %dma_wait3A_1024 = tpu.memref_slice %arg5[%dma_wait3A_1022, %dma_wait3A_1023] : memref<16x2048xf32, #tpu.memory_space<vmem>> -> memref<16x2048xf32, #tpu.memory_space<vmem>>
    tpu.wait_dma2 semaphore(%arg11 : memref<!tpu.dma_semaphore, #tpu.memory_space<semaphore_mem>>) src(%dma_wait3A_1024 : memref<16x2048xf32, #tpu.memory_space<vmem>>) dst(%dma_wait3A_1021 : memref<16x2048xf32, #tpu.memory_space<hbm>>)
    return
  }
}

</mosaic_0001>

<sc_bundles>
// kernel: kernel.3.cloned.1.call-start
scs
__scs_entry_jumppad:
0x0: {  	(pc) =	sbr.rel $0x88, $3  }
0x1: {  	(tag) =	ssettag $0x0;
	lr =	simm.s32 $0x1  }
0x2: {  	[smem:$0x3FA0] =	sst lr;
	_ =	strace $0xD0000000  }
0x3: {  	_ = 	snop  }
0x4: {  	_ = 	snop  }
0x5: {  	_ = 	snop  }
0x6: {  	_ = 	snop  }
0x7: {  	_ = 	snop  }
__scs_overlays_trampoline_lowered:
0x8: {  	[smem:$0x3FAF] =	sst s0  }
0x9: {  	[smem:$0x3FB0] =	sst s1  }
0xa: {  	[smem:$0x3FB1] =	sst s2  }
0xb: {  	[smem:$0x3FB2] =	sst s3  }
0xc: {  	[smem:$0x3FB3] =	sst s4  }
0xd: {  	[smem:$0x3FB4] =	sst s5  }
0xe: {  	[smem:$0x3FB5] =	sst s6  }
0xf: {  	[smem:$0x3FB6] =	sst s7  }
0x10: {  	[smem:$0x3FB7] =	sst s8  }
0x11: {  	[smem:$0x3FB8] =	sst s9;
	s0 =	simm.s32 @!p0 $0x0  }
0x12: {  	s1 =	sld [smem:$0x3F9E];
	s0 =	simm.s32 @p0 $0x1  }
0x13: {  	[smem:$0x3FB9] =	sst s0;
	s0 =	simm.s32 @!p1 $0x0  }
0x14: {  	s2 =	sld [smem:$0x3F9D];
	s0 =	simm.s32 @p1 $0x1  }
0x15: {  	[smem:$0x3FBA] =	sst s0;
	s0 =	simm.s32 @!p2 $0x0  }
0x16: {  	s3 =	sld [smem:$0x3FDB];
	s0 =	simm.s32 @p2 $0x1  }
0x17: {  	s4 =	simm.s32 $0x1BF5;
	[smem:$0x3FBC] =	sst s0  }
0x18: {  	s0 =	sld [smem:$0x3F9F];
	_ =	swait.ge [sflag:s4], $0x0  }
0x19: {  	s7 =	sld [smem:$0x3FA0]  }
0x1a: {  	s8 =	sadd.s32 $0xFFFFE003, lr  }
0x1b: {  	s9 =	sadd.s32 $0xFFFFFEF7, lr;
	s5 =	simm.s32 $0xFFFFFFFF;
	p2 =	slt.u32 s8, $0xFFFFF086  }
0x1c: {  	p1 =	slt.u32 s9, $0xF7A;
	s5 =	simm.s32 @!p2 $0x0  }
0x1d: {  	s5 =	simm.s32 @p1 $0x1;
	p0 =	seq.s32 s7, s2  }
0x1e: {  	s7 =	smul.u32 @!p0 $0xF7A, s2;
	p2 =	seq.s32 @!p0 s5, $0x0  }
0x1f: {  	s9 =	smul.u32 $0xF7A, s1;
	s8 =	simm.s32 @!p0 $0x1BF5;
	p2 =	por !p2, p0  }
0x20: {  	[sflag:s8] =	ssyncset.s32 @!p0 $0xFFFFF086;
	s6 =	sadd.s32 @!p0 s3, s7;
	s7 =	simm.s32 @!p0 $0x108  }
0x21: {  	s3 =	sadd.s32 s3, s9;
	s6 =	sadd.s32 @!p0 $0x88, s6;
	s7 =	simm.s32 @p2 $0x1082  }
0x22: {  	[simem:s7], [sflag:s8] =	dma.local @!p0 [hbm:s6], $0xF7A  }
0x23: {  	s9 =	sor.u32 $0xD0000000, s2;
	s6 =	simm.s32 $0x108;
	_ =	swait.ge @!p0 [sflag:s8], $0x0  }
0x24: {  	s3 =	sadd.s32 $0x88, s3;
	s6 =	simm.s32 @!p1 $0x1082;
	[sflag:s4] =	ssyncset.s32 $0xFFFFF086  }
0x25: {  	[simem:s6], [sflag:s4] =	dma.local [hbm:s3], $0xF7A  }
0x26: {  	[smem:$0x3FA0] =	sst s1;
	(tag) =	ssettag s2;
	_ =	strace s9  }
0x27: {  	s1 =	sld [smem:$0x3FB0]  }
0x28: {  	s2 =	sld [smem:$0x3FB1]  }
0x29: {  	s4 =	sld [smem:$0x3FB3]  }
0x2a: {  	p0 =	seq.s32 s5, $0x0;
	s5 =	sld [smem:$0x3FB4]  }
0x2b: {  	s6 =	sld [smem:$0x3FB5]  }
0x2c: {  	s7 =	sld [smem:$0x3FB6]  }
0x2d: {  	s3 =	simm.s32 $0x108;
	s8 =	sld [smem:$0x3FB7]  }
0x2e: {  	s3 =	simm.s32 @!p0 $0x1082;
	s9 =	sld [smem:$0x3FB8]  }
0x2f: {  	lr =	sadd.s32 s0, s3;
	s0 =	sld [smem:$0x3FAF]  }
0x30: {  	s3 =	sld [smem:$0x3FB2]  }
0x31: {  	[smem:$0x3FBB] =	sst s10  }
0x32: {  	s10 =	sld [smem:$0x3FB9];
	_ =	sdelay $0x3  }
0x33: {  	p0 =	seq.s32 s10, $0x1;
	s10 =	sld [smem:$0x3FBB];
	_ =	sdelay $0x3  }
0x34: {  	[smem:$0x3FBB] =	sst s10  }
0x35: {  	s10 =	sld [smem:$0x3FBA];
	_ =	sdelay $0x3  }
0x36: {  	p1 =	seq.s32 s10, $0x1;
	s10 =	sld [smem:$0x3FBB];
	_ =	sdelay $0x3  }
0x37: {  	[smem:$0x3FBB] =	sst s10  }
0x38: {  	s10 =	sld [smem:$0x3FBC]  }
0x39: {  	_ = 	snop;
	(pc) =	sbr.ind lr, $3  }
0x3a: {  	_ = 	snop  }
0x3b: {  	_ = 	snop  }
0x3c: {  	p2 =	seq.s32 s10, $0x1;
	s10 =	sld [smem:$0x3FBB]  }
0x3d: {  	_ =	shalt  }
0x3e: {  	_ =	shalt  }
0x3f: {  	_ =	shalt  }
0x40: {  	_ =	shalt  }
0x41: {  	_ =	shalt  }
0x42: {  	_ =	shalt  }
0x43: {  	_ =	shalt  }
0x44: {  	_ =	shalt  }
0x45: {  	_ =	shalt  }
0x46: {  	_ =	shalt  }
0x47: {  	_ =	shalt  }
0x48: {  	_ =	shalt  }
0x49: {  	_ =	shalt  }
0x4a: {  	_ =	shalt  }
0x4b: {  	_ =	shalt  }
0x4c: {  	_ =	shalt  }
0x4d: {  	_ =	shalt  }
0x4e: {  	_ =	shalt  }
0x4f: {  	_ =	shalt  }
0x50: {  	_ =	shalt  }
0x51: {  	_ =	shalt  }
0x52: {  	_ =	shalt  }
0x53: {  	_ =	shalt  }
0x54: {  	_ =	shalt  }
0x55: {  	_ =	shalt  }
0x56: {  	_ =	shalt  }
0x57: {  	_ =	shalt  }
0x58: {  	_ =	shalt  }
0x59: {  	_ =	shalt  }
0x5a: {  	_ =	shalt  }
0x5b: {  	_ =	shalt  }
0x5c: {  	_ =	shalt  }
0x5d: {  	_ =	shalt  }
0x5e: {  	_ =	shalt  }
0x5f: {  	_ =	shalt  }
0x60: {  	_ =	shalt  }
0x61: {  	_ =	shalt  }
0x62: {  	_ =	shalt  }
0x63: {  	_ =	shalt  }
0x64: {  	_ =	shalt  }
0x65: {  	_ =	shalt  }
0x66: {  	_ =	shalt  }
0x67: {  	_ =	shalt  }
0x68: {  	_ =	shalt  }
0x69: {  	_ =	shalt  }
0x6a: {  	_ =	shalt  }
0x6b: {  	_ =	shalt  }
0x6c: {  	_ =	shalt  }
0x6d: {  	_ =	shalt  }
0x6e: {  	_ =	shalt  }
0x6f: {  	_ =	shalt  }
0x70: {  	_ =	shalt  }
0x71: {  	_ =	shalt  }
0x72: {  	_ =	shalt  }
0x73: {  	_ =	shalt  }
0x74: {  	_ =	shalt  }
0x75: {  	_ =	shalt  }
0x76: {  	_ =	shalt  }
0x77: {  	_ =	shalt  }
0x78: {  	_ =	shalt  }
0x79: {  	_ =	shalt  }
0x7a: {  	_ =	shalt  }
0x7b: {  	_ =	shalt  }
0x7c: {  	_ =	shalt  }
0x7d: {  	_ =	shalt  }
0x7e: {  	_ =	shalt  }
0x7f: {  	_ =	shalt  }
0x80: {  	_ =	shalt  }
0x81: {  	_ =	shalt  }
0x82: {  	_ =	shalt  }
0x83: {  	_ =	shalt  }
0x84: {  	_ =	shalt  }
0x85: {  	_ =	shalt  }
0x86: {  	_ =	shalt  }
0x87: {  	_ =	shalt  }
.Lfunc_end0:
.L_simem_size_0:
called_computation_lowered:
.L_overlay_start_0:
0x88: {  	s2 =	sld [smem:$0x3FD9]  }
0x89: {  	s3 =	sld [smem:$0x3FFE];
	_ =	sdelay $0x1  }
0x8a: {  	s1 =	srdreg.scid  }
0x8b: {  	s0 =	sand.u32 $0x1, s1  }
0x8c: {  	s18 =	sshll.u32 s0, $0xA;
	s2 =	sadd.s32 s3, s2  }
0x8d: {  	s2 =	sadd.s32 s2, s18  }
0x8e: {  	[smem:$0x3FC7] =	sst s2  }
0x8f: {  	_ = 	snop  }
0x90: {  	s2 =	sld [smem:$0x3FC9]  }
0x91: {  	s19 =	sld [smem:$0x3FD0];
	(tm) =	ssettm $0x1  }
0x92: {  	s4 =	sld [smem:$0x3FFB];
	_ =	sdelay $0x3  }
0x93: {  	_ =	strace s4  }
0x94: {  	s4 =	sld [smem:$0x3FFC];
	_ =	sdelay $0x3  }
0x95: {  	_ =	strace s4  }
0x96: {  	s4 =	sld [smem:$0x3FFD];
	_ =	sdelay $0x3  }
0x97: {  	_ =	strace s4  }
0x98: {  	_ =	strace $0x8FFFFFFF  }
0x99: {  	s20 =	sld [smem:$0x3FDB];
	_ =	sdelay $0x1  }
0x9a: {  	s5 =	simm.s32 $_scs_section_size  }
0x9b: {  	s6 =	simm.s32 $_size__tile_overlayer_lowered;
	s7 =	simm.s32 $_tile_overlayer_lowered  }
0x9c: {  	s23 =	simm.s32 $0x1BFF;
	s22 =	sshll.u32 s7, $0x1;
	s4 =	sadd.s32 s5, s20  }
0x9d: {  	s8 =	simm.s32 $0x0;
	s21 =	sshll.u32 s6, $0x1;
	s6 =	sadd.s32 s22, s4  }
0x9e: {  	[timem:s8], [sflag:s23] =	dma.local [hbm:s6], s21  }
0x9f: {  	_ =	swait.ge [sflag:s23], s21  }
0xa0: {  	s5 =	ssub.s32 $0x0, s21;
	[sflag:s23] =	ssyncset.done $0x0  }
0xa1: {  	[sflag:s23] =	ssyncadd.s32 s5;
	_ =	sdelay $0x1  }
0xa2: {  	s24 =	simm.s32 $0x1B8B  }
0xa3: {  	_ =	swait.ge [sflag:s24], $0x1  }
0xa4: {  	[sflag:s24] =	ssyncset.done $0x0  }
0xa5: {  	s25 =	simm.s32 $0x1B8E;
	[sflag:s24] =	ssyncadd.s32 $0xFFFFFFFF  }
0xa6: {  	s26 =	simm.s32 $execute0_lowered;
	[smem:$0x3FD2] =	sst s25  }
0xa7: {  	s5 =	sshll.u32 s26, $0x1;
	_ =	strace $0x80000046;
	[dreg:$0x1] =	wrdreg $0xFFFFFFFF  }
0xa8: {  	s28 =	simm.s32 $_size_execute0_lowered;
	s4 =	sadd.s32 s4, s5;
	[dreg:$0x0] =	wrdreg $0x0  }
0xa9: {  	s5 =	sshll.u32 s28, $0x1;
	[dreg:$0x2] =	wrdreg s4  }
0xaa: {  	[dreg:$0x3] =	wrdreg s5  }
0xab: {  	[dreg:$0x4] =	wrdreg $0xC0  }
0xac: {  	_ =	task [dreg:s8], $0x5FFFF  }
0xad: {  	[dreg:$0x1] =	wrdreg $0xFFFFFFFF  }
0xae: {  	[dreg:$0x0] =	wrdreg $0x60  }
0xaf: {  	[dreg:$0x2] =	wrdreg s2  }
0xb0: {  	[dreg:$0x3] =	wrdreg s19  }
0xb1: {  	[dreg:$0x4] =	wrdreg $0x9  }
0xb2: {  	_ =	task.clear_ibuf [dreg:s8], $0x5FFFF;
	_ =	strace $0x90000046  }
0xb3: {  	s29 =	simm.s32 $0x9;
	_ =	strace $0x80000048  }
0xb4: {  	_ =	swait.ge [sflag:s29], $0x1  }
0xb5: {  	[sflag:s29] =	ssyncadd.s32 $0xFFFFFFFF  }
0xb6: {  	_ =	strace $0x90000048  }
0xb7: {  	_ =	sfence  }
0xb8: {  	s30 =	sld [smem:$0x0];
	_ =	sdelay $0x2  }
0xb9: {  	s31 =	sshll.u32 s1, $0xD;
	s1 =	sshrl.u32 s1, $0x2  }
0xba: {  	s3 =	sand.u32 $0x4000, s31;
	s1 =	sadd.s32 s1, s30  }
0xbb: {  	s0 =	sor.u32 s3, s0;
	s1 =	sshll.u32 s1, $0x11  }
0xbc: {  	s0 =	sor.u32 s1, s0  }
0xbd: {  	s0 =	sadd.s32 $0x8F2B, s0  }
0xbe: {  	[sflag:s0] =	ssyncadd.remote.s32 $0x1  }
0xbf: {  	_ =	sfence.sel $0xFFFF  }
0xc0: {  	[dreg:$0x0] =	wrdreg $0xFFFFFFFF;
	(pc) =	sbr.abs _section_cstart, $3  }
0xc1: {  	[dreg:$0x1] =	wrdreg $0xFFFFFFFF  }
0xc2: {  	_ =	task.clear_ibuf [dreg:s8], $0x2FFFF;
	_ =	strace $0x9FFFFFFF  }
0xc3: {  	(tm) =	ssettm $0x7FFFFFFF  }
tec
execute0_lowered:
.L_overlay_start_1:
0x0: {  	(tag) =	ssettag $0x1  }
0x1: {  	s3 =	rddreg [dreg:$0x0];
	s1 =	srdreg.scid  }
0x2: {  	s0 =	rddreg [dreg:$0x1];
	s4 =	stileid.u32;
	s1 =	sand.u32 $0x1, s1  }
0x3: {  	s2 =	simm.s32 $0x0;
	s4 =	sshll.u32 s4, $0x10;
	s5 =	sshll.u32 s1, $0xF  }
0x4: {  	[smem:$0x7FF] =	sst s2;
	s4 =	sor.u32 s5, s4  }
0x5: {  	_ =	strace $0x80000047;
	s5 =	sadd.s32 s3, s4;
	s6 =	sor.u32 $0x1000, s4  }
0x6: {  	s7 =	sor.u32 $0x2000, s4;
	[dreg:$0x3] =	wrdreg s5;
	s18 =	sadd.s32 s3, s6  }
0x7: {  	s31 =	sadd.s32 s0, s4;
	s19 =	sadd.s32 s3, s7;
	[dreg:$0x4] =	wrdreg s18  }
0x8: {  	s20 =	sadd.s32 $0x100000, s31;
	[dreg:$0x5] =	wrdreg s19  }
0x9: {  	s21 =	sadd.s32 $0x200000, s31;
	[dreg:$0x6] =	wrdreg s20  }
0xa: {  	s8 =	sor.u32 $0x3000, s4;
	s22 =	sadd.s32 $0x300000, s31;
	[dreg:$0x7] =	wrdreg s21  }
0xb: {  	s23 =	sadd.s32 s3, s8;
	[dreg:$0x8] =	wrdreg s22  }
0xc: {  	s24 =	sadd.s32 s0, s6;
	[dreg:$0x9] =	wrdreg s23  }
0xd: {  	s25 =	sadd.s32 $0x101000, s31;
	[dreg:$0xa] =	wrdreg s24  }
0xe: {  	p0 =	por $0x0, $0x0;
	s26 =	sadd.s32 $0x201000, s31;
	[dreg:$0xb] =	wrdreg s25  }
0xf: {  	s9 =	sor.u32 $0x4000, s4;
	s6 =	sadd.s32 $0x301000, s31;
	[dreg:$0xc] =	wrdreg s26  }
0x10: {  	s29 =	simm.s32 $0x3;
	s10 =	sadd.s32 s3, s9;
	[dreg:$0xd] =	wrdreg s6  }
0x11: {  	s1 =	ssub.s32 $0x2, s1;
	s11 =	sadd.s32 s0, s7;
	[dreg:$0xe] =	wrdreg s10  }
0x12: {  	s15 =	sor.u32 $0x5000, s4;
	s12 =	sadd.s32 $0x102000, s31;
	[dreg:$0xf] =	wrdreg s11  }
0x13: {  	s13 =	sadd.s32 $0x202000, s31;
	s14 =	sadd.s32 $0x302000, s31;
	[dreg:$0x10] =	wrdreg s12  }
0x14: {  	s16 =	sadd.s32 s3, s15;
	s17 =	sadd.s32 s0, s8;
	[dreg:$0x11] =	wrdreg s13  }
0x15: {  	s30 =	sadd.s32 $0x303000, s31;
	s15 =	sadd.s32 s0, s15;
	[dreg:$0x12] =	wrdreg s14  }
0x16: {  	s7 =	sadd.s32 $0x207000, s31;
	s8 =	sadd.s32 $0x307000, s31;
	[dreg:$0x13] =	wrdreg s16  }
0x17: {  	[dreg:$0x14] =	wrdreg s17;
	s18 =	sadd.s32 $0x103000, s31;
	s19 =	sshrl.u32 s1, $0x1  }
0x18: {  	s20 =	sadd.s32 $0x203000, s31;
	s21 =	sor.u32 $0x6000, s4;
	s23 =	sadd.s32 s0, s9  }
0x19: {  	s24 =	sadd.s32 $0x104000, s31;
	s25 =	sadd.s32 $0x204000, s31;
	s4 =	sor.u32 $0x7000, s4  }
0x1a: {  	s26 =	sadd.s32 $0x304000, s31;
	s16 =	sadd.s32 $0x105000, s31;
	s17 =	sadd.s32 $0x205000, s31  }
0x1b: {  	s12 =	sadd.s32 $0x106000, s31;
	s13 =	sadd.s32 $0x206000, s31;
	s1 =	ssub.s32 s1, s19  }
0x1c: {  	s14 =	sadd.s32 $0x306000, s31;
	s6 =	sadd.s32 $0x107000, s31;
	s22 =	smax.u32 s1, $0x1  }
0x1d: {  	s10 =	simm.s32 $0x8000;
	[dreg:$0x15] =	wrdreg s18;
	p1 =	sne.s32 s22, $0x1  }
.Ltmp0:
0x1e: {  	s9 =	simm.s32 $0x6;
	[dreg:$0x16] =	wrdreg s20;
	(pc) =	sbr.rel @!p1 .LBB2_5-.Ltmp0, $4  }
0x1f: {  	s28 =	sadd.s32 s3, s21;
	s19 =	sadd.s32 s3, s4;
	s18 =	sadd.s32 $0x305000, s31  }
0x20: {  	s11 =	sadd.s32 s0, s21;
	s5 =	sadd.s32 s0, s4;
	s21 =	simm.s32 $0x10000  }
0x21: {  	s4 =	simm.s32 $0x4;
	s20 =	simm.s32 $0x2;
	s3 =	simm.s32 $0x5  }
0x22: {  	s1 =	rddreg [dreg:$0x3];
	s0 =	sadd.s32 $0xFFFFFFFF, s22;
	s22 =	simm.s32 $0x1  }
0x23: {  	[dreg:$0x18] =	wrdreg s0  }
0x24: {  	[tilespmem:s2], [sflag:$0x1] =	stream.linear.gather [hbm4b:s1+s2], $0x8000, $0x38;
	[tilespmem:$0x18000] =	vst v63  }
0x25: {  	s0 =	rddreg [dreg:$0x4]  }
0x26: {  	[tilespmem:s10], [sflag:$0x2] =	stream.linear.gather [hbm4b:s0+s2], $0x8000, $0x38;
	[tilespmem:$0x18000] =	vst v63  }
0x27: {  	s1 =	rddreg [dreg:$0x5]  }
0x28: {  	[tilespmem:s21], [sflag:$0x3] =	stream.linear.gather [hbm4b:s1+s2], $0x8000, $0x38;
	[tilespmem:$0x18000] =	vst v63  }
0x29: {  	_ =	swait.ge [sflag:s22], $0x8000  }
0x2a: {  	[sflag:s22] =	ssyncset.done $0x0  }
0x2b: {  	[sflag:s22] =	ssyncadd.s32 $0xFFFF8000  }
0x2c: {  	[hbm4b:s31+s2] =	stream.linear.scatter [tilespmem:s2], [sflag:$0x4], $0x8000, $0x38;
	[tilespmem:$0x18000] =	vst v63  }
0x2d: {  	s0 =	rddreg [dreg:$0x6]  }
0x2e: {  	[hbm4b:s0+s2] =	stream.linear.scatter [tilespmem:s2], [sflag:$0x4], $0x8000, $0x38;
	[tilespmem:$0x18000] =	vst v63  }
0x2f: {  	s1 =	rddreg [dreg:$0x7]  }
0x30: {  	[hbm4b:s1+s2] =	stream.linear.scatter [tilespmem:s2], [sflag:$0x4], $0x8000, $0x38;
	[tilespmem:$0x18000] =	vst v63  }
0x31: {  	s0 =	rddreg [dreg:$0x8]  }
0x32: {  	[hbm4b:s0+s2] =	stream.linear.scatter [tilespmem:s2], [sflag:$0x4], $0x8000, $0x38;
	[tilespmem:$0x18000] =	vst v63  }
0x33: {  	_ =	swait.ge [sflag:s4], $0x8000  }
0x34: {  	[sflag:s4] =	ssyncset.done $0x0  }
0x35: {  	[sflag:s4] =	ssyncadd.s32 $0xFFFF8000  }
0x36: {  	_ =	swait.ge [sflag:s4], $0x8000  }
0x37: {  	[sflag:s4] =	ssyncset.done $0x0  }
0x38: {  	[sflag:s4] =	ssyncadd.s32 $0xFFFF8000  }
0x39: {  	_ =	swait.ge [sflag:s4], $0x8000  }
0x3a: {  	[sflag:s4] =	ssyncset.done $0x0  }
0x3b: {  	[sflag:s4] =	ssyncadd.s32 $0xFFFF8000  }
0x3c: {  	_ =	swait.ge [sflag:s4], $0x8000  }
0x3d: {  	[sflag:s4] =	ssyncset.done $0x0  }
0x3e: {  	s1 =	rddreg [dreg:$0x9];
	[sflag:s4] =	ssyncadd.s32 $0xFFFF8000  }
0x3f: {  	[tilespmem:s2], [sflag:$0x1] =	stream.linear.gather [hbm4b:s1+s2], $0x8000, $0x38;
	[tilespmem:$0x18000] =	vst v63  }
0x40: {  	_ =	swait.ge [sflag:s20], $0x8000  }
0x41: {  	[sflag:s20] =	ssyncset.done $0x0  }
0x42: {  	s0 =	rddreg [dreg:$0xa];
	[sflag:s20] =	ssyncadd.s32 $0xFFFF8000  }
0x43: {  	[hbm4b:s0+s2] =	stream.linear.scatter [tilespmem:s10], [sflag:$0x5], $0x8000, $0x38;
	[tilespmem:$0x18000] =	vst v63  }
0x44: {  	s1 =	rddreg [dreg:$0xb]  }
0x45: {  	[hbm4b:s1+s2] =	stream.linear.scatter [tilespmem:s10], [sflag:$0x5], $0x8000, $0x38;
	[tilespmem:$0x18000] =	vst v63  }
0x46: {  	s0 =	rddreg [dreg:$0xc]  }
0x47: {  	[hbm4b:s0+s2] =	stream.linear.scatter [tilespmem:s10], [sflag:$0x5], $0x8000, $0x38;
	[tilespmem:$0x18000] =	vst v63  }
0x48: {  	s1 =	rddreg [dreg:$0xd]  }
0x49: {  	[hbm4b:s1+s2] =	stream.linear.scatter [tilespmem:s10], [sflag:$0x5], $0x8000, $0x38;
	[tilespmem:$0x18000] =	vst v63  }
0x4a: {  	_ =	swait.ge [sflag:s3], $0x8000  }
0x4b: {  	[sflag:s3] =	ssyncset.done $0x0  }
0x4c: {  	[sflag:s3] =	ssyncadd.s32 $0xFFFF8000  }
0x4d: {  	_ =	swait.ge [sflag:s3], $0x8000  }
0x4e: {  	[sflag:s3] =	ssyncset.done $0x0  }
0x4f: {  	[sflag:s3] =	ssyncadd.s32 $0xFFFF8000  }
0x50: {  	_ =	swait.ge [sflag:s3], $0x8000  }
0x51: {  	[sflag:s3] =	ssyncset.done $0x0  }
0x52: {  	[sflag:s3] =	ssyncadd.s32 $0xFFFF8000  }
0x53: {  	_ =	swait.ge [sflag:s3], $0x8000  }
0x54: {  	[sflag:s3] =	ssyncset.done $0x0  }
0x55: {  	s1 =	rddreg [dreg:$0xe];
	[sflag:s3] =	ssyncadd.s32 $0xFFFF8000  }
0x56: {  	[tilespmem:s10], [sflag:$0x2] =	stream.linear.gather [hbm4b:s1+s2], $0x8000, $0x38;
	[tilespmem:$0x18000] =	vst v63  }
0x57: {  	_ =	swait.ge [sflag:s29], $0x8000  }
0x58: {  	[sflag:s29] =	ssyncset.done $0x0  }
0x59: {  	s0 =	rddreg [dreg:$0xf];
	[sflag:s29] =	ssyncadd.s32 $0xFFFF8000  }
0x5a: {  	[hbm4b:s0+s2] =	stream.linear.scatter [tilespmem:s21], [sflag:$0x6], $0x8000, $0x38;
	[tilespmem:$0x18000] =	vst v63  }
0x5b: {  	s1 =	rddreg [dreg:$0x10]  }
0x5c: {  	[hbm4b:s1+s2] =	stream.linear.scatter [tilespmem:s21], [sflag:$0x6], $0x8000, $0x38;
	[tilespmem:$0x18000] =	vst v63  }
0x5d: {  	s0 =	rddreg [dreg:$0x11]  }
0x5e: {  	[hbm4b:s0+s2] =	stream.linear.scatter [tilespmem:s21], [sflag:$0x6], $0x8000, $0x38;
	[tilespmem:$0x18000] =	vst v63  }
0x5f: {  	s1 =	rddreg [dreg:$0x12]  }
0x60: {  	[hbm4b:s1+s2] =	stream.linear.scatter [tilespmem:s21], [sflag:$0x6], $0x8000, $0x38;
	[tilespmem:$0x18000] =	vst v63  }
0x61: {  	_ =	swait.ge [sflag:s9], $0x8000  }
0x62: {  	[sflag:s9] =	ssyncset.done $0x0  }
0x63: {  	[sflag:s9] =	ssyncadd.s32 $0xFFFF8000  }
0x64: {  	_ =	swait.ge [sflag:s9], $0x8000  }
0x65: {  	[sflag:s9] =	ssyncset.done $0x0  }
0x66: {  	[sflag:s9] =	ssyncadd.s32 $0xFFFF8000  }
0x67: {  	_ =	swait.ge [sflag:s9], $0x8000  }
0x68: {  	[sflag:s9] =	ssyncset.done $0x0  }
0x69: {  	[sflag:s9] =	ssyncadd.s32 $0xFFFF8000  }
0x6a: {  	_ =	swait.ge [sflag:s9], $0x8000  }
0x6b: {  	[sflag:s9] =	ssyncset.done $0x0  }
0x6c: {  	s1 =	rddreg [dreg:$0x13];
	[sflag:s9] =	ssyncadd.s32 $0xFFFF8000  }
0x6d: {  	[tilespmem:s21], [sflag:$0x3] =	stream.linear.gather [hbm4b:s1+s2], $0x8000, $0x38;
	[tilespmem:$0x18000] =	vst v63  }
0x6e: {  	_ =	swait.ge [sflag:s22], $0x8000  }
0x6f: {  	[sflag:s22] =	ssyncset.done $0x0  }
0x70: {  	s0 =	rddreg [dreg:$0x14];
	[sflag:s22] =	ssyncadd.s32 $0xFFFF8000  }
0x71: {  	[hbm4b:s0+s2] =	stream.linear.scatter [tilespmem:s2], [sflag:$0x4], $0x8000, $0x38;
	[tilespmem:$0x18000] =	vst v63  }
0x72: {  	s1 =	rddreg [dreg:$0x15]  }
0x73: {  	[hbm4b:s1+s2] =	stream.linear.scatter [tilespmem:s2], [sflag:$0x4], $0x8000, $0x38;
	[tilespmem:$0x18000] =	vst v63  }
0x74: {  	s0 =	rddreg [dreg:$0x16]  }
0x75: {  	[hbm4b:s0+s2] =	stream.linear.scatter [tilespmem:s2], [sflag:$0x4], $0x8000, $0x38;
	[tilespmem:$0x18000] =	vst v63  }
0x76: {  	_ = 	snop  }
0x77: {  	[hbm4b:s30+s2] =	stream.linear.scatter [tilespmem:s2], [sflag:$0x4], $0x8000, $0x38;
	[tilespmem:$0x18000] =	vst v63  }
0x78: {  	_ =	swait.ge [sflag:s4], $0x8000  }
0x79: {  	[sflag:s4] =	ssyncset.done $0x0  }
0x7a: {  	[sflag:s4] =	ssyncadd.s32 $0xFFFF8000  }
0x7b: {  	_ =	swait.ge [sflag:s4], $0x8000  }
0x7c: {  	[sflag:s4] =	ssyncset.done $0x0  }
0x7d: {  	[sflag:s4] =	ssyncadd.s32 $0xFFFF8000  }
0x7e: {  	_ =	swait.ge [sflag:s4], $0x8000  }
0x7f: {  	[sflag:s4] =	ssyncset.done $0x0  }
0x80: {  	[sflag:s4] =	ssyncadd.s32 $0xFFFF8000  }
0x81: {  	_ =	swait.ge [sflag:s4], $0x8000  }
0x82: {  	[sflag:s4] =	ssyncset.done $0x0  }
0x83: {  	[sflag:s4] =	ssyncadd.s32 $0xFFFF8000  }
0x84: {  	[tilespmem:s2], [sflag:$0x1] =	stream.linear.gather [hbm4b:s28+s2], $0x8000, $0x38;
	[tilespmem:$0x18000] =	vst v63  }
0x85: {  	_ =	swait.ge [sflag:s20], $0x8000  }
0x86: {  	[sflag:s20] =	ssyncset.done $0x0  }
0x87: {  	[sflag:s20] =	ssyncadd.s32 $0xFFFF8000  }
0x88: {  	[hbm4b:s23+s2] =	stream.linear.scatter [tilespmem:s10], [sflag:$0x5], $0x8000, $0x38;
	[tilespmem:$0x18000] =	vst v63  }
0x89: {  	_ = 	snop  }
0x8a: {  	[hbm4b:s24+s2] =	stream.linear.scatter [tilespmem:s10], [sflag:$0x5], $0x8000, $0x38;
	[tilespmem:$0x18000] =	vst v63  }
0x8b: {  	_ = 	snop  }
0x8c: {  	[hbm4b:s25+s2] =	stream.linear.scatter [tilespmem:s10], [sflag:$0x5], $0x8000, $0x38;
	[tilespmem:$0x18000] =	vst v63  }
0x8d: {  	_ = 	snop  }
0x8e: {  	[hbm4b:s26+s2] =	stream.linear.scatter [tilespmem:s10], [sflag:$0x5], $0x8000, $0x38;
	[tilespmem:$0x18000] =	vst v63  }
0x8f: {  	_ =	swait.ge [sflag:s3], $0x8000  }
0x90: {  	[sflag:s3] =	ssyncset.done $0x0  }
0x91: {  	[sflag:s3] =	ssyncadd.s32 $0xFFFF8000  }
0x92: {  	_ =	swait.ge [sflag:s3], $0x8000  }
0x93: {  	[sflag:s3] =	ssyncset.done $0x0  }
0x94: {  	[sflag:s3] =	ssyncadd.s32 $0xFFFF8000  }
0x95: {  	_ =	swait.ge [sflag:s3], $0x8000  }
0x96: {  	[sflag:s3] =	ssyncset.done $0x0  }
0x97: {  	[sflag:s3] =	ssyncadd.s32 $0xFFFF8000  }
0x98: {  	_ =	swait.ge [sflag:s3], $0x8000  }
0x99: {  	[sflag:s3] =	ssyncset.done $0x0  }
0x9a: {  	[sflag:s3] =	ssyncadd.s32 $0xFFFF8000  }
0x9b: {  	[tilespmem:s10], [sflag:$0x2] =	stream.linear.gather [hbm4b:s19+s2], $0x8000, $0x38;
	[tilespmem:$0x18000] =	vst v63  }
0x9c: {  	_ =	swait.ge [sflag:s29], $0x8000  }
0x9d: {  	[sflag:s29] =	ssyncset.done $0x0  }
0x9e: {  	[sflag:s29] =	ssyncadd.s32 $0xFFFF8000  }
0x9f: {  	[hbm4b:s15+s2] =	stream.linear.scatter [tilespmem:s21], [sflag:$0x6], $0x8000, $0x38;
	[tilespmem:$0x18000] =	vst v63  }
0xa0: {  	_ = 	snop  }
0xa1: {  	[hbm4b:s16+s2] =	stream.linear.scatter [tilespmem:s21], [sflag:$0x6], $0x8000, $0x38;
	[tilespmem:$0x18000] =	vst v63  }
0xa2: {  	_ = 	snop  }
0xa3: {  	[hbm4b:s17+s2] =	stream.linear.scatter [tilespmem:s21], [sflag:$0x6], $0x8000, $0x38;
	[tilespmem:$0x18000] =	vst v63  }
0xa4: {  	_ = 	snop  }
0xa5: {  	[hbm4b:s18+s2] =	stream.linear.scatter [tilespmem:s21], [sflag:$0x6], $0x8000, $0x38;
	[tilespmem:$0x18000] =	vst v63  }
0xa6: {  	_ =	swait.ge [sflag:s22], $0x8000  }
0xa7: {  	[sflag:s22] =	ssyncset.done $0x0  }
0xa8: {  	[sflag:s22] =	ssyncadd.s32 $0xFFFF8000  }
0xa9: {  	[hbm4b:s11+s2] =	stream.linear.scatter [tilespmem:s2], [sflag:$0x4], $0x8000, $0x38;
	[tilespmem:$0x18000] =	vst v63  }
0xaa: {  	_ = 	snop  }
0xab: {  	[hbm4b:s12+s2] =	stream.linear.scatter [tilespmem:s2], [sflag:$0x4], $0x8000, $0x38;
	[tilespmem:$0x18000] =	vst v63  }
0xac: {  	_ = 	snop  }
0xad: {  	[hbm4b:s13+s2] =	stream.linear.scatter [tilespmem:s2], [sflag:$0x4], $0x8000, $0x38;
	[tilespmem:$0x18000] =	vst v63  }
0xae: {  	_ = 	snop  }
0xaf: {  	[hbm4b:s14+s2] =	stream.linear.scatter [tilespmem:s2], [sflag:$0x4], $0x8000, $0x38;
	[tilespmem:$0x18000] =	vst v63  }
0xb0: {  	_ =	swait.ge [sflag:s20], $0x8000  }
0xb1: {  	[sflag:s20] =	ssyncset.done $0x0  }
0xb2: {  	[sflag:s20] =	ssyncadd.s32 $0xFFFF8000  }
0xb3: {  	[hbm4b:s5+s2] =	stream.linear.scatter [tilespmem:s10], [sflag:$0x5], $0x8000, $0x38;
	[tilespmem:$0x18000] =	vst v63  }
0xb4: {  	_ = 	snop  }
0xb5: {  	[hbm4b:s6+s2] =	stream.linear.scatter [tilespmem:s10], [sflag:$0x5], $0x8000, $0x38;
	[tilespmem:$0x18000] =	vst v63  }
0xb6: {  	_ = 	snop  }
0xb7: {  	[hbm4b:s7+s2] =	stream.linear.scatter [tilespmem:s10], [sflag:$0x5], $0x8000, $0x38;
	[tilespmem:$0x18000] =	vst v63  }
0xb8: {  	_ = 	snop  }
0xb9: {  	[hbm4b:s8+s2] =	stream.linear.scatter [tilespmem:s10], [sflag:$0x5], $0x8000, $0x38;
	[tilespmem:$0x18000] =	vst v63  }
0xba: {  	_ =	swait.ge [sflag:s9], $0x8000  }
0xbb: {  	[sflag:s9] =	ssyncset.done $0x0  }
0xbc: {  	[sflag:s9] =	ssyncadd.s32 $0xFFFF8000  }
0xbd: {  	_ =	swait.ge [sflag:s9], $0x8000  }
0xbe: {  	[sflag:s9] =	ssyncset.done $0x0  }
0xbf: {  	[sflag:s9] =	ssyncadd.s32 $0xFFFF8000  }
0xc0: {  	_ =	swait.ge [sflag:s9], $0x8000  }
0xc1: {  	[sflag:s9] =	ssyncset.done $0x0  }
0xc2: {  	[sflag:s9] =	ssyncadd.s32 $0xFFFF8000  }
0xc3: {  	_ =	swait.ge [sflag:s9], $0x8000  }
0xc4: {  	[sflag:s9] =	ssyncset.done $0x0  }
0xc5: {  	[sflag:s9] =	ssyncadd.s32 $0xFFFF8000  }
0xc6: {  	_ =	swait.ge [sflag:s4], $0x8000  }
0xc7: {  	[sflag:s4] =	ssyncset.done $0x0  }
0xc8: {  	[sflag:s4] =	ssyncadd.s32 $0xFFFF8000  }
0xc9: {  	_ =	swait.ge [sflag:s4], $0x8000  }
0xca: {  	[sflag:s4] =	ssyncset.done $0x0  }
0xcb: {  	[sflag:s4] =	ssyncadd.s32 $0xFFFF8000  }
0xcc: {  	_ =	swait.ge [sflag:s4], $0x8000  }
0xcd: {  	[sflag:s4] =	ssyncset.done $0x0  }
0xce: {  	[sflag:s4] =	ssyncadd.s32 $0xFFFF8000  }
0xcf: {  	_ =	swait.ge [sflag:s4], $0x8000  }
0xd0: {  	[sflag:s4] =	ssyncset.done $0x0  }
0xd1: {  	[sflag:s4] =	ssyncadd.s32 $0xFFFF8000  }
0xd2: {  	_ =	swait.ge [sflag:s3], $0x8000  }
0xd3: {  	[sflag:s3] =	ssyncset.done $0x0  }
0xd4: {  	[sflag:s3] =	ssyncadd.s32 $0xFFFF8000  }
0xd5: {  	_ =	swait.ge [sflag:s3], $0x8000  }
0xd6: {  	[sflag:s3] =	ssyncset.done $0x0  }
0xd7: {  	[sflag:s3] =	ssyncadd.s32 $0xFFFF8000  }
0xd8: {  	_ =	swait.ge [sflag:s3], $0x8000  }
0xd9: {  	s1 =	rddreg [dreg:$0x18]  }
0xda: {  	p1 =	sne.s32 s1, $0x1  }
.Ltmp1:
0xdb: {  	_ = 	snop;
	(pc) =	sbr.rel @!p1 .LBB2_2-.Ltmp1, $4  }
0xdc: {  	[sflag:s3] =	ssyncset.done $0x0  }
0xdd: {  	[sflag:s3] =	ssyncadd.s32 $0xFFFF8000  }
0xde: {  	p0 =	por $0x1, $0x1;
	_ =	swait.ge [sflag:s3], $0x8000;
	[dreg:$0x17] =	wrdreg s31  }
0xdf: {  	s0 =	sadd.s32 $0xFFFFFFFF, s1;
	s1 =	rddreg [dreg:$0x3];
	[sflag:s3] =	ssyncset.done $0x0  }
.LBB2_3:
0xe0: {  	[sflag:s3] =	ssyncadd.s32 $0xFFFF8000;
	s31 =	smov.u32 s30;
	s30 =	smov.u32 s28  }
0xe1: {  	s28 =	smov.u32 s26;
	s26 =	smov.u32 s25;
	s25 =	smov.u32 s24  }
0xe2: {  	s24 =	smov.u32 s23;
	s23 =	smov.u32 s19;
	s19 =	smov.u32 s18  }
0xe3: {  	s18 =	smov.u32 s17;
	s17 =	smov.u32 s16;
	s16 =	smov.u32 s15  }
0xe4: {  	s15 =	smov.u32 s14;
	s14 =	smov.u32 s13;
	s13 =	smov.u32 s12  }
0xe5: {  	s12 =	smov.u32 s11;
	s11 =	smov.u32 s8;
	s8 =	smov.u32 s7  }
0xe6: {  	[tilespmem:s2], [sflag:$0x1] =	stream.linear.gather [hbm4b:s1+s2], $0x8000, $0x38;
	[tilespmem:$0x18000] =	vst v63  }
0xe7: {  	s7 =	smov.u32 s6;
	s6 =	smov.u32 s5;
	s5 =	rddreg [dreg:$0x4]  }
0xe8: {  	[tilespmem:s10], [sflag:$0x2] =	stream.linear.gather [hbm4b:s5+s2], $0x8000, $0x38;
	[tilespmem:$0x18000] =	vst v63  }
0xe9: {  	s1 =	rddreg [dreg:$0x5]  }
0xea: {  	[tilespmem:s21], [sflag:$0x3] =	stream.linear.gather [hbm4b:s1+s2], $0x8000, $0x38;
	[tilespmem:$0x18000] =	vst v63  }
0xeb: {  	_ =	swait.ge [sflag:s22], $0x8000  }
0xec: {  	[sflag:s22] =	ssyncset.done $0x0  }
0xed: {  	s5 =	rddreg [dreg:$0x17];
	[sflag:s22] =	ssyncadd.s32 $0xFFFF8000  }
0xee: {  	[hbm4b:s5+s2] =	stream.linear.scatter [tilespmem:s2], [sflag:$0x4], $0x8000, $0x38;
	[tilespmem:$0x18000] =	vst v63  }
0xef: {  	s1 =	rddreg [dreg:$0x6]  }
0xf0: {  	[hbm4b:s1+s2] =	stream.linear.scatter [tilespmem:s2], [sflag:$0x4], $0x8000, $0x38;
	[tilespmem:$0x18000] =	vst v63  }
0xf1: {  	s5 =	rddreg [dreg:$0x7]  }
0xf2: {  	[hbm4b:s5+s2] =	stream.linear.scatter [tilespmem:s2], [sflag:$0x4], $0x8000, $0x38;
	[tilespmem:$0x18000] =	vst v63  }
0xf3: {  	s1 =	rddreg [dreg:$0x8]  }
0xf4: {  	[hbm4b:s1+s2] =	stream.linear.scatter [tilespmem:s2], [sflag:$0x4], $0x8000, $0x38;
	[tilespmem:$0x18000] =	vst v63  }
0xf5: {  	_ =	swait.ge [sflag:s4], $0x8000  }
0xf6: {  	[sflag:s4] =	ssyncset.done $0x0  }
0xf7: {  	[sflag:s4] =	ssyncadd.s32 $0xFFFF8000  }
0xf8: {  	_ =	swait.ge [sflag:s4], $0x8000  }
0xf9: {  	[sflag:s4] =	ssyncset.done $0x0  }
0xfa: {  	[sflag:s4] =	ssyncadd.s32 $0xFFFF8000  }
0xfb: {  	_ =	swait.ge [sflag:s4], $0x8000  }
0xfc: {  	[sflag:s4] =	ssyncset.done $0x0  }
0xfd: {  	[sflag:s4] =	ssyncadd.s32 $0xFFFF8000  }
0xfe: {  	_ =	swait.ge [sflag:s4], $0x8000  }
0xff: {  	[sflag:s4] =	ssyncset.done $0x0  }
0x100: {  	s5 =	rddreg [dreg:$0x9];
	[sflag:s4] =	ssyncadd.s32 $0xFFFF8000  }
0x101: {  	[tilespmem:s2], [sflag:$0x1] =	stream.linear.gather [hbm4b:s5+s2], $0x8000, $0x38;
	[tilespmem:$0x18000] =	vst v63  }
0x102: {  	_ =	swait.ge [sflag:s20], $0x8000  }
0x103: {  	[sflag:s20] =	ssyncset.done $0x0  }
0x104: {  	s1 =	rddreg [dreg:$0xa];
	[sflag:s20] =	ssyncadd.s32 $0xFFFF8000  }
0x105: {  	[hbm4b:s1+s2] =	stream.linear.scatter [tilespmem:s10], [sflag:$0x5], $0x8000, $0x38;
	[tilespmem:$0x18000] =	vst v63  }
0x106: {  	s5 =	rddreg [dreg:$0xb]  }
0x107: {  	[hbm4b:s5+s2] =	stream.linear.scatter [tilespmem:s10], [sflag:$0x5], $0x8000, $0x38;
	[tilespmem:$0x18000] =	vst v63  }
0x108: {  	s1 =	rddreg [dreg:$0xc]  }
0x109: {  	[hbm4b:s1+s2] =	stream.linear.scatter [tilespmem:s10], [sflag:$0x5], $0x8000, $0x38;
	[tilespmem:$0x18000] =	vst v63  }
0x10a: {  	s5 =	rddreg [dreg:$0xd]  }
0x10b: {  	[hbm4b:s5+s2] =	stream.linear.scatter [tilespmem:s10], [sflag:$0x5], $0x8000, $0x38;
	[tilespmem:$0x18000] =	vst v63  }
0x10c: {  	_ =	swait.ge [sflag:s3], $0x8000  }
0x10d: {  	[sflag:s3] =	ssyncset.done $0x0  }
0x10e: {  	[sflag:s3] =	ssyncadd.s32 $0xFFFF8000  }
0x10f: {  	_ =	swait.ge [sflag:s3], $0x8000  }
0x110: {  	[sflag:s3] =	ssyncset.done $0x0  }
0x111: {  	[sflag:s3] =	ssyncadd.s32 $0xFFFF8000  }
0x112: {  	_ =	swait.ge [sflag:s3], $0x8000  }
0x113: {  	[sflag:s3] =	ssyncset.done $0x0  }
0x114: {  	[sflag:s3] =	ssyncadd.s32 $0xFFFF8000  }
0x115: {  	_ =	swait.ge [sflag:s3], $0x8000  }
0x116: {  	[sflag:s3] =	ssyncset.done $0x0  }
0x117: {  	s5 =	rddreg [dreg:$0xe];
	[sflag:s3] =	ssyncadd.s32 $0xFFFF8000  }
0x118: {  	[tilespmem:s10], [sflag:$0x2] =	stream.linear.gather [hbm4b:s5+s2], $0x8000, $0x38;
	[tilespmem:$0x18000] =	vst v63  }
0x119: {  	_ =	swait.ge [sflag:s29], $0x8000  }
0x11a: {  	[sflag:s29] =	ssyncset.done $0x0  }
0x11b: {  	s1 =	rddreg [dreg:$0xf];
	[sflag:s29] =	ssyncadd.s32 $0xFFFF8000  }
0x11c: {  	[hbm4b:s1+s2] =	stream.linear.scatter [tilespmem:s21], [sflag:$0x6], $0x8000, $0x38;
	[tilespmem:$0x18000] =	vst v63  }
0x11d: {  	s5 =	rddreg [dreg:$0x10]  }
0x11e: {  	[hbm4b:s5+s2] =	stream.linear.scatter [tilespmem:s21], [sflag:$0x6], $0x8000, $0x38;
	[tilespmem:$0x18000] =	vst v63  }
0x11f: {  	s1 =	rddreg [dreg:$0x11]  }
0x120: {  	[hbm4b:s1+s2] =	stream.linear.scatter [tilespmem:s21], [sflag:$0x6], $0x8000, $0x38;
	[tilespmem:$0x18000] =	vst v63  }
0x121: {  	s5 =	rddreg [dreg:$0x12]  }
0x122: {  	[hbm4b:s5+s2] =	stream.linear.scatter [tilespmem:s21], [sflag:$0x6], $0x8000, $0x38;
	[tilespmem:$0x18000] =	vst v63  }
0x123: {  	_ =	swait.ge [sflag:s9], $0x8000  }
0x124: {  	[sflag:s9] =	ssyncset.done $0x0  }
0x125: {  	[sflag:s9] =	ssyncadd.s32 $0xFFFF8000  }
0x126: {  	_ =	swait.ge [sflag:s9], $0x8000  }
0x127: {  	[sflag:s9] =	ssyncset.done $0x0  }
0x128: {  	[sflag:s9] =	ssyncadd.s32 $0xFFFF8000  }
0x129: {  	_ =	swait.ge [sflag:s9], $0x8000  }
0x12a: {  	[sflag:s9] =	ssyncset.done $0x0  }
0x12b: {  	[sflag:s9] =	ssyncadd.s32 $0xFFFF8000  }
0x12c: {  	_ =	swait.ge [sflag:s9], $0x8000  }
0x12d: {  	[sflag:s9] =	ssyncset.done $0x0  }
0x12e: {  	s5 =	rddreg [dreg:$0x13];
	[sflag:s9] =	ssyncadd.s32 $0xFFFF8000  }
0x12f: {  	[tilespmem:s21], [sflag:$0x3] =	stream.linear.gather [hbm4b:s5+s2], $0x8000, $0x38;
	[tilespmem:$0x18000] =	vst v63  }
0x130: {  	_ =	swait.ge [sflag:s22], $0x8000  }
0x131: {  	[sflag:s22] =	ssyncset.done $0x0  }
0x132: {  	s1 =	rddreg [dreg:$0x14];
	[sflag:s22] =	ssyncadd.s32 $0xFFFF8000  }
0x133: {  	[hbm4b:s1+s2] =	stream.linear.scatter [tilespmem:s2], [sflag:$0x4], $0x8000, $0x38;
	[tilespmem:$0x18000] =	vst v63  }
0x134: {  	s5 =	rddreg [dreg:$0x15]  }
0x135: {  	[hbm4b:s5+s2] =	stream.linear.scatter [tilespmem:s2], [sflag:$0x4], $0x8000, $0x38;
	[tilespmem:$0x18000] =	vst v63  }
0x136: {  	s1 =	rddreg [dreg:$0x16]  }
0x137: {  	[hbm4b:s1+s2] =	stream.linear.scatter [tilespmem:s2], [sflag:$0x4], $0x8000, $0x38;
	[tilespmem:$0x18000] =	vst v63  }
0x138: {  	_ = 	snop  }
0x139: {  	[hbm4b:s31+s2] =	stream.linear.scatter [tilespmem:s2], [sflag:$0x4], $0x8000, $0x38;
	[tilespmem:$0x18000] =	vst v63  }
0x13a: {  	_ =	swait.ge [sflag:s4], $0x8000  }
0x13b: {  	[sflag:s4] =	ssyncset.done $0x0  }
0x13c: {  	[sflag:s4] =	ssyncadd.s32 $0xFFFF8000  }
0x13d: {  	s5 =	smov.u32 s6;
	s6 =	smov.u32 s7;
	_ =	swait.ge [sflag:s4], $0x8000  }
0x13e: {  	s7 =	smov.u32 s8;
	s8 =	smov.u32 s11;
	[sflag:s4] =	ssyncset.done $0x0  }
0x13f: {  	s11 =	smov.u32 s12;
	s12 =	smov.u32 s13;
	[sflag:s4] =	ssyncadd.s32 $0xFFFF8000  }
0x140: {  	s13 =	smov.u32 s14;
	s14 =	smov.u32 s15;
	_ =	swait.ge [sflag:s4], $0x8000  }
0x141: {  	s15 =	smov.u32 s16;
	s16 =	smov.u32 s17;
	[sflag:s4] =	ssyncset.done $0x0  }
0x142: {  	s17 =	smov.u32 s18;
	s18 =	smov.u32 s19;
	[sflag:s4] =	ssyncadd.s32 $0xFFFF8000  }
0x143: {  	s19 =	smov.u32 s23;
	s23 =	smov.u32 s24;
	_ =	swait.ge [sflag:s4], $0x8000  }
0x144: {  	s24 =	smov.u32 s25;
	s25 =	smov.u32 s26;
	[sflag:s4] =	ssyncset.done $0x0  }
0x145: {  	s26 =	smov.u32 s28;
	s28 =	smov.u32 s30;
	[sflag:s4] =	ssyncadd.s32 $0xFFFF8000  }
0x146: {  	[tilespmem:s2], [sflag:$0x1] =	stream.linear.gather [hbm4b:s28+s2], $0x8000, $0x38;
	[tilespmem:$0x18000] =	vst v63  }
0x147: {  	_ =	swait.ge [sflag:s20], $0x8000  }
0x148: {  	[sflag:s20] =	ssyncset.done $0x0  }
0x149: {  	[sflag:s20] =	ssyncadd.s32 $0xFFFF8000  }
0x14a: {  	[hbm4b:s23+s2] =	stream.linear.scatter [tilespmem:s10], [sflag:$0x5], $0x8000, $0x38;
	[tilespmem:$0x18000] =	vst v63  }
0x14b: {  	_ = 	snop  }
0x14c: {  	[hbm4b:s24+s2] =	stream.linear.scatter [tilespmem:s10], [sflag:$0x5], $0x8000, $0x38;
	[tilespmem:$0x18000] =	vst v63  }
0x14d: {  	_ = 	snop  }
0x14e: {  	[hbm4b:s25+s2] =	stream.linear.scatter [tilespmem:s10], [sflag:$0x5], $0x8000, $0x38;
	[tilespmem:$0x18000] =	vst v63  }
0x14f: {  	_ = 	snop  }
0x150: {  	[hbm4b:s26+s2] =	stream.linear.scatter [tilespmem:s10], [sflag:$0x5], $0x8000, $0x38;
	[tilespmem:$0x18000] =	vst v63  }
0x151: {  	_ =	swait.ge [sflag:s3], $0x8000  }
0x152: {  	[sflag:s3] =	ssyncset.done $0x0  }
0x153: {  	[sflag:s3] =	ssyncadd.s32 $0xFFFF8000  }
0x154: {  	_ =	swait.ge [sflag:s3], $0x8000  }
0x155: {  	[sflag:s3] =	ssyncset.done $0x0  }
0x156: {  	[sflag:s3] =	ssyncadd.s32 $0xFFFF8000  }
0x157: {  	_ =	swait.ge [sflag:s3], $0x8000  }
0x158: {  	[sflag:s3] =	ssyncset.done $0x0  }
0x159: {  	[sflag:s3] =	ssyncadd.s32 $0xFFFF8000  }
0x15a: {  	_ =	swait.ge [sflag:s3], $0x8000  }
0x15b: {  	[sflag:s3] =	ssyncset.done $0x0  }
0x15c: {  	[sflag:s3] =	ssyncadd.s32 $0xFFFF8000  }
0x15d: {  	[tilespmem:s10], [sflag:$0x2] =	stream.linear.gather [hbm4b:s19+s2], $0x8000, $0x38;
	[tilespmem:$0x18000] =	vst v63  }
0x15e: {  	_ =	swait.ge [sflag:s29], $0x8000  }
0x15f: {  	[sflag:s29] =	ssyncset.done $0x0  }
0x160: {  	[sflag:s29] =	ssyncadd.s32 $0xFFFF8000  }
0x161: {  	[hbm4b:s15+s2] =	stream.linear.scatter [tilespmem:s21], [sflag:$0x6], $0x8000, $0x38;
	[tilespmem:$0x18000] =	vst v63  }
0x162: {  	_ = 	snop  }
0x163: {  	[hbm4b:s16+s2] =	stream.linear.scatter [tilespmem:s21], [sflag:$0x6], $0x8000, $0x38;
	[tilespmem:$0x18000] =	vst v63  }
0x164: {  	_ = 	snop  }
0x165: {  	[hbm4b:s17+s2] =	stream.linear.scatter [tilespmem:s21], [sflag:$0x6], $0x8000, $0x38;
	[tilespmem:$0x18000] =	vst v63  }
0x166: {  	_ = 	snop  }
0x167: {  	[hbm4b:s18+s2] =	stream.linear.scatter [tilespmem:s21], [sflag:$0x6], $0x8000, $0x38;
	[tilespmem:$0x18000] =	vst v63  }
0x168: {  	_ =	swait.ge [sflag:s22], $0x8000  }
0x169: {  	[sflag:s22] =	ssyncset.done $0x0  }
0x16a: {  	[sflag:s22] =	ssyncadd.s32 $0xFFFF8000  }
0x16b: {  	[hbm4b:s11+s2] =	stream.linear.scatter [tilespmem:s2], [sflag:$0x4], $0x8000, $0x38;
	[tilespmem:$0x18000] =	vst v63  }
0x16c: {  	_ = 	snop  }
0x16d: {  	[hbm4b:s12+s2] =	stream.linear.scatter [tilespmem:s2], [sflag:$0x4], $0x8000, $0x38;
	[tilespmem:$0x18000] =	vst v63  }
0x16e: {  	_ = 	snop  }
0x16f: {  	[hbm4b:s13+s2] =	stream.linear.scatter [tilespmem:s2], [sflag:$0x4], $0x8000, $0x38;
	[tilespmem:$0x18000] =	vst v63  }
0x170: {  	_ = 	snop  }
0x171: {  	[hbm4b:s14+s2] =	stream.linear.scatter [tilespmem:s2], [sflag:$0x4], $0x8000, $0x38;
	[tilespmem:$0x18000] =	vst v63  }
0x172: {  	_ =	swait.ge [sflag:s20], $0x8000  }
0x173: {  	[sflag:s20] =	ssyncset.done $0x0  }
0x174: {  	[sflag:s20] =	ssyncadd.s32 $0xFFFF8000  }
0x175: {  	[hbm4b:s5+s2] =	stream.linear.scatter [tilespmem:s10], [sflag:$0x5], $0x8000, $0x38;
	[tilespmem:$0x18000] =	vst v63  }
0x176: {  	_ = 	snop  }
0x177: {  	[hbm4b:s6+s2] =	stream.linear.scatter [tilespmem:s10], [sflag:$0x5], $0x8000, $0x38;
	[tilespmem:$0x18000] =	vst v63  }
0x178: {  	_ = 	snop  }
0x179: {  	[hbm4b:s7+s2] =	stream.linear.scatter [tilespmem:s10], [sflag:$0x5], $0x8000, $0x38;
	[tilespmem:$0x18000] =	vst v63  }
0x17a: {  	_ = 	snop  }
0x17b: {  	[hbm4b:s8+s2] =	stream.linear.scatter [tilespmem:s10], [sflag:$0x5], $0x8000, $0x38;
	[tilespmem:$0x18000] =	vst v63  }
0x17c: {  	_ =	swait.ge [sflag:s9], $0x8000  }
0x17d: {  	[sflag:s9] =	ssyncset.done $0x0  }
0x17e: {  	[sflag:s9] =	ssyncadd.s32 $0xFFFF8000  }
0x17f: {  	_ =	swait.ge [sflag:s9], $0x8000  }
0x180: {  	[sflag:s9] =	ssyncset.done $0x0  }
0x181: {  	[sflag:s9] =	ssyncadd.s32 $0xFFFF8000  }
0x182: {  	_ =	swait.ge [sflag:s9], $0x8000  }
0x183: {  	[sflag:s9] =	ssyncset.done $0x0  }
0x184: {  	[sflag:s9] =	ssyncadd.s32 $0xFFFF8000  }
0x185: {  	_ =	swait.ge [sflag:s9], $0x8000  }
0x186: {  	[sflag:s9] =	ssyncset.done $0x0  }
0x187: {  	[sflag:s9] =	ssyncadd.s32 $0xFFFF8000  }
0x188: {  	_ =	swait.ge [sflag:s4], $0x8000  }
0x189: {  	[sflag:s4] =	ssyncset.done $0x0  }
0x18a: {  	[sflag:s4] =	ssyncadd.s32 $0xFFFF8000  }
0x18b: {  	_ =	swait.ge [sflag:s4], $0x8000  }
0x18c: {  	[sflag:s4] =	ssyncset.done $0x0  }
0x18d: {  	[sflag:s4] =	ssyncadd.s32 $0xFFFF8000  }
0x18e: {  	_ =	swait.ge [sflag:s4], $0x8000  }
0x18f: {  	[sflag:s4] =	ssyncset.done $0x0  }
0x190: {  	[sflag:s4] =	ssyncadd.s32 $0xFFFF8000  }
0x191: {  	_ =	swait.ge [sflag:s4], $0x8000  }
0x192: {  	[sflag:s4] =	ssyncset.done $0x0  }
0x193: {  	[sflag:s4] =	ssyncadd.s32 $0xFFFF8000  }
0x194: {  	_ =	swait.ge [sflag:s3], $0x8000  }
0x195: {  	[sflag:s3] =	ssyncset.done $0x0  }
0x196: {  	[sflag:s3] =	ssyncadd.s32 $0xFFFF8000  }
0x197: {  	_ =	swait.ge [sflag:s3], $0x8000  }
0x198: {  	[sflag:s3] =	ssyncset.done $0x0  }
0x199: {  	p1 =	sne.s32 s0, $0x1;
	[sflag:s3] =	ssyncadd.s32 $0xFFFF8000  }
.Ltmp2:
0x19a: {  	_ =	swait.ge [sflag:s3], $0x8000;
	(pc) =	sbr.rel @p1 .LBB2_3-.Ltmp2, $4  }
0x19b: {  	[sflag:s3] =	ssyncset.done $0x0  }
0x19c: {  	[sflag:s3] =	ssyncadd.s32 $0xFFFF8000  }
0x19d: {  	s0 =	sadd.s32 $0xFFFFFFFF, s0;
	_ =	swait.ge [sflag:s3], $0x8000  }
0x19e: {  	s30 =	smov.u32 s31;
	s1 =	rddreg [dreg:$0x3];
	[sflag:s3] =	ssyncset.done $0x0  }
0x19f: {  	s31 =	rddreg [dreg:$0x17]  }
.LBB2_5:
0x1a0: {  	[sflag:s3] =	ssyncadd.s32 @p0 $0xFFFF8000  }
0x1a1: {  	[tilespmem:s2], [sflag:$0x1] =	stream.linear.gather [hbm4b:s1+s2], $0x8000, $0x38;
	[tilespmem:$0x18000] =	vst v63  }
0x1a2: {  	s0 =	rddreg [dreg:$0x4]  }
0x1a3: {  	[tilespmem:s10], [sflag:$0x2] =	stream.linear.gather [hbm4b:s0+s2], $0x8000, $0x38;
	[tilespmem:$0x18000] =	vst v63  }
0x1a4: {  	s1 =	rddreg [dreg:$0x5]  }
0x1a5: {  	[tilespmem:s21], [sflag:$0x3] =	stream.linear.gather [hbm4b:s1+s2], $0x8000, $0x38;
	[tilespmem:$0x18000] =	vst v63  }
0x1a6: {  	_ =	swait.ge [sflag:s22], $0x8000  }
0x1a7: {  	[sflag:s22] =	ssyncset.done $0x0  }
0x1a8: {  	[sflag:s22] =	ssyncadd.s32 $0xFFFF8000  }
0x1a9: {  	[hbm4b:s31+s2] =	stream.linear.scatter [tilespmem:s2], [sflag:$0x4], $0x8000, $0x38;
	[tilespmem:$0x18000] =	vst v63  }
0x1aa: {  	s0 =	rddreg [dreg:$0x6]  }
0x1ab: {  	[hbm4b:s0+s2] =	stream.linear.scatter [tilespmem:s2], [sflag:$0x4], $0x8000, $0x38;
	[tilespmem:$0x18000] =	vst v63  }
0x1ac: {  	s1 =	rddreg [dreg:$0x7]  }
0x1ad: {  	[hbm4b:s1+s2] =	stream.linear.scatter [tilespmem:s2], [sflag:$0x4], $0x8000, $0x38;
	[tilespmem:$0x18000] =	vst v63  }
0x1ae: {  	s31 =	rddreg [dreg:$0x8]  }
0x1af: {  	[hbm4b:s31+s2] =	stream.linear.scatter [tilespmem:s2], [sflag:$0x4], $0x8000, $0x38;
	[tilespmem:$0x18000] =	vst v63  }
0x1b0: {  	_ =	swait.ge [sflag:s4], $0x8000  }
0x1b1: {  	[sflag:s4] =	ssyncset.done $0x0  }
0x1b2: {  	[sflag:s4] =	ssyncadd.s32 $0xFFFF8000  }
0x1b3: {  	_ =	swait.ge [sflag:s4], $0x8000  }
0x1b4: {  	[sflag:s4] =	ssyncset.done $0x0  }
0x1b5: {  	[sflag:s4] =	ssyncadd.s32 $0xFFFF8000  }
0x1b6: {  	_ =	swait.ge [sflag:s4], $0x8000  }
0x1b7: {  	[sflag:s4] =	ssyncset.done $0x0  }
0x1b8: {  	[sflag:s4] =	ssyncadd.s32 $0xFFFF8000  }
0x1b9: {  	_ =	swait.ge [sflag:s4], $0x8000  }
0x1ba: {  	[sflag:s4] =	ssyncset.done $0x0  }
0x1bb: {  	s31 =	rddreg [dreg:$0x9];
	[sflag:s4] =	ssyncadd.s32 $0xFFFF8000  }
0x1bc: {  	[tilespmem:s2], [sflag:$0x1] =	stream.linear.gather [hbm4b:s31+s2], $0x8000, $0x38;
	[tilespmem:$0x18000] =	vst v63  }
0x1bd: {  	_ =	swait.ge [sflag:s20], $0x8000  }
0x1be: {  	[sflag:s20] =	ssyncset.done $0x0  }
0x1bf: {  	s1 =	rddreg [dreg:$0xa];
	[sflag:s20] =	ssyncadd.s32 $0xFFFF8000  }
0x1c0: {  	[hbm4b:s1+s2] =	stream.linear.scatter [tilespmem:s10], [sflag:$0x5], $0x8000, $0x38;
	[tilespmem:$0x18000] =	vst v63  }
0x1c1: {  	s31 =	rddreg [dreg:$0xb]  }
0x1c2: {  	[hbm4b:s31+s2] =	stream.linear.scatter [tilespmem:s10], [sflag:$0x5], $0x8000, $0x38;
	[tilespmem:$0x18000] =	vst v63  }
0x1c3: {  	s0 =	rddreg [dreg:$0xc]  }
0x1c4: {  	[hbm4b:s0+s2] =	stream.linear.scatter [tilespmem:s10], [sflag:$0x5], $0x8000, $0x38;
	[tilespmem:$0x18000] =	vst v63  }
0x1c5: {  	s31 =	rddreg [dreg:$0xd]  }
0x1c6: {  	[hbm4b:s31+s2] =	stream.linear.scatter [tilespmem:s10], [sflag:$0x5], $0x8000, $0x38;
	[tilespmem:$0x18000] =	vst v63  }
0x1c7: {  	_ =	swait.ge [sflag:s3], $0x8000  }
0x1c8: {  	[sflag:s3] =	ssyncset.done $0x0  }
0x1c9: {  	[sflag:s3] =	ssyncadd.s32 $0xFFFF8000  }
0x1ca: {  	_ =	swait.ge [sflag:s3], $0x8000  }
0x1cb: {  	[sflag:s3] =	ssyncset.done $0x0  }
0x1cc: {  	[sflag:s3] =	ssyncadd.s32 $0xFFFF8000  }
0x1cd: {  	_ =	swait.ge [sflag:s3], $0x8000  }
0x1ce: {  	[sflag:s3] =	ssyncset.done $0x0  }
0x1cf: {  	[sflag:s3] =	ssyncadd.s32 $0xFFFF8000  }
0x1d0: {  	_ =	swait.ge [sflag:s3], $0x8000  }
0x1d1: {  	[sflag:s3] =	ssyncset.done $0x0  }
0x1d2: {  	s31 =	rddreg [dreg:$0xe];
	[sflag:s3] =	ssyncadd.s32 $0xFFFF8000  }
0x1d3: {  	[tilespmem:s10], [sflag:$0x2] =	stream.linear.gather [hbm4b:s31+s2], $0x8000, $0x38;
	[tilespmem:$0x18000] =	vst v63  }
0x1d4: {  	_ =	swait.ge [sflag:s29], $0x8000  }
0x1d5: {  	[sflag:s29] =	ssyncset.done $0x0  }
0x1d6: {  	s1 =	rddreg [dreg:$0xf];
	[sflag:s29] =	ssyncadd.s32 $0xFFFF8000  }
0x1d7: {  	[hbm4b:s1+s2] =	stream.linear.scatter [tilespmem:s21], [sflag:$0x6], $0x8000, $0x38;
	[tilespmem:$0x18000] =	vst v63  }
0x1d8: {  	s31 =	rddreg [dreg:$0x10]  }
0x1d9: {  	[hbm4b:s31+s2] =	stream.linear.scatter [tilespmem:s21], [sflag:$0x6], $0x8000, $0x38;
	[tilespmem:$0x18000] =	vst v63  }
0x1da: {  	s0 =	rddreg [dreg:$0x11]  }
0x1db: {  	[hbm4b:s0+s2] =	stream.linear.scatter [tilespmem:s21], [sflag:$0x6], $0x8000, $0x38;
	[tilespmem:$0x18000] =	vst v63  }
0x1dc: {  	s31 =	rddreg [dreg:$0x12]  }
0x1dd: {  	[hbm4b:s31+s2] =	stream.linear.scatter [tilespmem:s21], [sflag:$0x6], $0x8000, $0x38;
	[tilespmem:$0x18000] =	vst v63  }
0x1de: {  	_ =	swait.ge [sflag:s9], $0x8000  }
0x1df: {  	[sflag:s9] =	ssyncset.done $0x0  }
0x1e0: {  	[sflag:s9] =	ssyncadd.s32 $0xFFFF8000  }
0x1e1: {  	_ =	swait.ge [sflag:s9], $0x8000  }
0x1e2: {  	[sflag:s9] =	ssyncset.done $0x0  }
0x1e3: {  	[sflag:s9] =	ssyncadd.s32 $0xFFFF8000  }
0x1e4: {  	_ =	swait.ge [sflag:s9], $0x8000  }
0x1e5: {  	[sflag:s9] =	ssyncset.done $0x0  }
0x1e6: {  	[sflag:s9] =	ssyncadd.s32 $0xFFFF8000  }
0x1e7: {  	_ =	swait.ge [sflag:s9], $0x8000  }
0x1e8: {  	[sflag:s9] =	ssyncset.done $0x0  }
0x1e9: {  	s1 =	rddreg [dreg:$0x13];
	[sflag:s9] =	ssyncadd.s32 $0xFFFF8000  }
0x1ea: {  	[tilespmem:s21], [sflag:$0x3] =	stream.linear.gather [hbm4b:s1+s2], $0x8000, $0x38;
	[tilespmem:$0x18000] =	vst v63  }
0x1eb: {  	_ =	swait.ge [sflag:s22], $0x8000  }
0x1ec: {  	[sflag:s22] =	ssyncset.done $0x0  }
0x1ed: {  	s31 =	rddreg [dreg:$0x14];
	[sflag:s22] =	ssyncadd.s32 $0xFFFF8000  }
0x1ee: {  	[hbm4b:s31+s2] =	stream.linear.scatter [tilespmem:s2], [sflag:$0x4], $0x8000, $0x38;
	[tilespmem:$0x18000] =	vst v63  }
0x1ef: {  	s1 =	rddreg [dreg:$0x15]  }
0x1f0: {  	[hbm4b:s1+s2] =	stream.linear.scatter [tilespmem:s2], [sflag:$0x4], $0x8000, $0x38;
	[tilespmem:$0x18000] =	vst v63  }
0x1f1: {  	s31 =	rddreg [dreg:$0x16]  }
0x1f2: {  	[hbm4b:s31+s2] =	stream.linear.scatter [tilespmem:s2], [sflag:$0x4], $0x8000, $0x38;
	[tilespmem:$0x18000] =	vst v63  }
0x1f3: {  	_ = 	snop  }
0x1f4: {  	[hbm4b:s30+s2] =	stream.linear.scatter [tilespmem:s2], [sflag:$0x4], $0x8000, $0x38;
	[tilespmem:$0x18000] =	vst v63  }
0x1f5: {  	_ =	swait.ge [sflag:s4], $0x8000  }
0x1f6: {  	[sflag:s4] =	ssyncset.done $0x0  }
0x1f7: {  	[sflag:s4] =	ssyncadd.s32 $0xFFFF8000  }
0x1f8: {  	_ =	swait.ge [sflag:s4], $0x8000  }
0x1f9: {  	[sflag:s4] =	ssyncset.done $0x0  }
0x1fa: {  	[sflag:s4] =	ssyncadd.s32 $0xFFFF8000  }
0x1fb: {  	_ =	swait.ge [sflag:s4], $0x8000  }
0x1fc: {  	[sflag:s4] =	ssyncset.done $0x0  }
0x1fd: {  	[sflag:s4] =	ssyncadd.s32 $0xFFFF8000  }
0x1fe: {  	_ =	swait.ge [sflag:s4], $0x8000  }
0x1ff: {  	[sflag:s4] =	ssyncset.done $0x0  }
0x200: {  	[sflag:s4] =	ssyncadd.s32 $0xFFFF8000  }
0x201: {  	[tilespmem:s2], [sflag:$0x1] =	stream.linear.gather [hbm4b:s28+s2], $0x8000, $0x38;
	[tilespmem:$0x18000] =	vst v63  }
0x202: {  	_ =	swait.ge [sflag:s20], $0x8000  }
0x203: {  	[sflag:s20] =	ssyncset.done $0x0  }
0x204: {  	[sflag:s20] =	ssyncadd.s32 $0xFFFF8000  }
0x205: {  	[hbm4b:s23+s2] =	stream.linear.scatter [tilespmem:s10], [sflag:$0x5], $0x8000, $0x38;
	[tilespmem:$0x18000] =	vst v63  }
0x206: {  	_ = 	snop  }
0x207: {  	[hbm4b:s24+s2] =	stream.linear.scatter [tilespmem:s10], [sflag:$0x5], $0x8000, $0x38;
	[tilespmem:$0x18000] =	vst v63  }
0x208: {  	_ = 	snop  }
0x209: {  	[hbm4b:s25+s2] =	stream.linear.scatter [tilespmem:s10], [sflag:$0x5], $0x8000, $0x38;
	[tilespmem:$0x18000] =	vst v63  }
0x20a: {  	_ = 	snop  }
0x20b: {  	[hbm4b:s26+s2] =	stream.linear.scatter [tilespmem:s10], [sflag:$0x5], $0x8000, $0x38;
	[tilespmem:$0x18000] =	vst v63  }
0x20c: {  	_ =	swait.ge [sflag:s3], $0x8000  }
0x20d: {  	[sflag:s3] =	ssyncset.done $0x0  }
0x20e: {  	[sflag:s3] =	ssyncadd.s32 $0xFFFF8000  }
0x20f: {  	_ =	swait.ge [sflag:s3], $0x8000  }
0x210: {  	[sflag:s3] =	ssyncset.done $0x0  }
0x211: {  	[sflag:s3] =	ssyncadd.s32 $0xFFFF8000  }
0x212: {  	_ =	swait.ge [sflag:s3], $0x8000  }
0x213: {  	[sflag:s3] =	ssyncset.done $0x0  }
0x214: {  	[sflag:s3] =	ssyncadd.s32 $0xFFFF8000  }
0x215: {  	_ =	swait.ge [sflag:s3], $0x8000  }
0x216: {  	[sflag:s3] =	ssyncset.done $0x0  }
0x217: {  	[sflag:s3] =	ssyncadd.s32 $0xFFFF8000  }
0x218: {  	[tilespmem:s10], [sflag:$0x2] =	stream.linear.gather [hbm4b:s19+s2], $0x8000, $0x38;
	[tilespmem:$0x18000] =	vst v63  }
0x219: {  	_ =	swait.ge [sflag:s29], $0x8000  }
0x21a: {  	[sflag:s29] =	ssyncset.done $0x0  }
0x21b: {  	[sflag:s29] =	ssyncadd.s32 $0xFFFF8000  }
0x21c: {  	[hbm4b:s15+s2] =	stream.linear.scatter [tilespmem:s21], [sflag:$0x6], $0x8000, $0x38;
	[tilespmem:$0x18000] =	vst v63  }
0x21d: {  	_ = 	snop  }
0x21e: {  	[hbm4b:s16+s2] =	stream.linear.scatter [tilespmem:s21], [sflag:$0x6], $0x8000, $0x38;
	[tilespmem:$0x18000] =	vst v63  }
0x21f: {  	_ = 	snop  }
0x220: {  	[hbm4b:s17+s2] =	stream.linear.scatter [tilespmem:s21], [sflag:$0x6], $0x8000, $0x38;
	[tilespmem:$0x18000] =	vst v63  }
0x221: {  	_ = 	snop  }
0x222: {  	[hbm4b:s18+s2] =	stream.linear.scatter [tilespmem:s21], [sflag:$0x6], $0x8000, $0x38;
	[tilespmem:$0x18000] =	vst v63  }
0x223: {  	_ =	swait.ge [sflag:s22], $0x8000  }
0x224: {  	[sflag:s22] =	ssyncset.done $0x0  }
0x225: {  	[sflag:s22] =	ssyncadd.s32 $0xFFFF8000  }
0x226: {  	[hbm4b:s11+s2] =	stream.linear.scatter [tilespmem:s2], [sflag:$0x4], $0x8000, $0x38;
	[tilespmem:$0x18000] =	vst v63  }
0x227: {  	_ = 	snop  }
0x228: {  	[hbm4b:s12+s2] =	stream.linear.scatter [tilespmem:s2], [sflag:$0x4], $0x8000, $0x38;
	[tilespmem:$0x18000] =	vst v63  }
0x229: {  	_ = 	snop  }
0x22a: {  	[hbm4b:s13+s2] =	stream.linear.scatter [tilespmem:s2], [sflag:$0x4], $0x8000, $0x38;
	[tilespmem:$0x18000] =	vst v63  }
0x22b: {  	_ = 	snop  }
0x22c: {  	[hbm4b:s14+s2] =	stream.linear.scatter [tilespmem:s2], [sflag:$0x4], $0x8000, $0x38;
	[tilespmem:$0x18000] =	vst v63  }
0x22d: {  	_ =	swait.ge [sflag:s20], $0x8000  }
0x22e: {  	[sflag:s20] =	ssyncset.done $0x0  }
0x22f: {  	[sflag:s20] =	ssyncadd.s32 $0xFFFF8000  }
0x230: {  	[hbm4b:s5+s2] =	stream.linear.scatter [tilespmem:s10], [sflag:$0x5], $0x8000, $0x38;
	[tilespmem:$0x18000] =	vst v63  }
0x231: {  	_ = 	snop  }
0x232: {  	[hbm4b:s6+s2] =	stream.linear.scatter [tilespmem:s10], [sflag:$0x5], $0x8000, $0x38;
	[tilespmem:$0x18000] =	vst v63  }
0x233: {  	_ = 	snop  }
0x234: {  	[hbm4b:s7+s2] =	stream.linear.scatter [tilespmem:s10], [sflag:$0x5], $0x8000, $0x38;
	[tilespmem:$0x18000] =	vst v63  }
0x235: {  	_ = 	snop  }
0x236: {  	[hbm4b:s8+s2] =	stream.linear.scatter [tilespmem:s10], [sflag:$0x5], $0x8000, $0x38;
	[tilespmem:$0x18000] =	vst v63  }
0x237: {  	_ =	swait.ge [sflag:s9], $0x8000  }
0x238: {  	[sflag:s9] =	ssyncset.done $0x0  }
0x239: {  	[sflag:s9] =	ssyncadd.s32 $0xFFFF8000  }
0x23a: {  	_ =	swait.ge [sflag:s9], $0x8000  }
0x23b: {  	[sflag:s9] =	ssyncset.done $0x0  }
0x23c: {  	[sflag:s9] =	ssyncadd.s32 $0xFFFF8000  }
0x23d: {  	_ =	swait.ge [sflag:s9], $0x8000  }
0x23e: {  	[sflag:s9] =	ssyncset.done $0x0  }
0x23f: {  	[sflag:s9] =	ssyncadd.s32 $0xFFFF8000  }
0x240: {  	_ =	swait.ge [sflag:s9], $0x8000  }
0x241: {  	[sflag:s9] =	ssyncset.done $0x0  }
0x242: {  	[sflag:s9] =	ssyncadd.s32 $0xFFFF8000  }
0x243: {  	_ =	swait.ge [sflag:s4], $0x8000  }
0x244: {  	[sflag:s4] =	ssyncset.done $0x0  }
0x245: {  	[sflag:s4] =	ssyncadd.s32 $0xFFFF8000  }
0x246: {  	_ =	swait.ge [sflag:s4], $0x8000  }
0x247: {  	[sflag:s4] =	ssyncset.done $0x0  }
0x248: {  	[sflag:s4] =	ssyncadd.s32 $0xFFFF8000  }
0x249: {  	_ =	swait.ge [sflag:s4], $0x8000  }
0x24a: {  	[sflag:s4] =	ssyncset.done $0x0  }
0x24b: {  	[sflag:s4] =	ssyncadd.s32 $0xFFFF8000  }
0x24c: {  	_ =	swait.ge [sflag:s4], $0x8000  }
0x24d: {  	[sflag:s4] =	ssyncset.done $0x0  }
0x24e: {  	[sflag:s4] =	ssyncadd.s32 $0xFFFF8000  }
0x24f: {  	_ =	swait.ge [sflag:s3], $0x8000  }
0x250: {  	[sflag:s3] =	ssyncset.done $0x0  }
0x251: {  	[sflag:s3] =	ssyncadd.s32 $0xFFFF8000  }
0x252: {  	_ =	swait.ge [sflag:s3], $0x8000  }
0x253: {  	[sflag:s3] =	ssyncset.done $0x0  }
0x254: {  	[sflag:s3] =	ssyncadd.s32 $0xFFFF8000  }
0x255: {  	_ =	swait.ge [sflag:s3], $0x8000  }
0x256: {  	[sflag:s3] =	ssyncset.done $0x0  }
0x257: {  	[sflag:s3] =	ssyncadd.s32 $0xFFFF8000  }
0x258: {  	_ =	swait.ge [sflag:s3], $0x8000  }
0x259: {  	[sflag:s3] =	ssyncset.done $0x0  }
0x25a: {  	[sflag:s3] =	ssyncadd.s32 $0xFFFF8000  }
0x25b: {  	_ =	sfence.sel $0x180000  }
0x25c: {  	[bflag:$0x0] =	sbarrier.arrive $0xFFFF  }
0x25d: {  	_ =	strace $0x90000047  }
0x25e: {  	s31 =	stileid.u32;
	[bflag:$0x2] =	sbarrier.arrive $0xFFFF  }
0x25f: {  	p0 =	sne.s32 s31, $0x0;
	s0 =	rddreg [dreg:$0x2]  }
0x260: {  	s0 =	sadd.s32 @!p0 $0x100000, s0  }
0x261: {  	[sflag:s0] =	ssyncadd.tile.s32 @!p0 $0x1;
	_ =	shalt  }
.LBB2_2:
.Ltmp3:
0x262: {  	(pc) =	sbr.rel .LBB2_5-.Ltmp3, $2  }
0x263: {  	_ =	sdelay $0x2  }
0x264: {  	s31 =	rddreg [dreg:$0x17]  }
.Lfunc_end2:
_tile_overlayer_lowered:
.L_overlay_start_2:
0x265: {  	(tag) =	ssettag $0x2  }
0x266: {  	s0 =	rddreg [dreg:$0x0];
	s2 =	stileid.u32  }
0x267: {  	s1 =	rddreg [dreg:$0x1];
	p0 =	sne.s32 s2, $0x0  }
0x268: {  	s3 =	rddreg [dreg:$0x2];
	[bflag:$0x3] =	sbarrier.arrive $0xFFFF;
	s2 =	simm.s32 @!p0 $0x1C07  }
0x269: {  	[timem:s3], [sflag:s2] =	dma.local @!p0 [hbm:s0], s1  }
0x26a: {  	s0 =	simm.s32 @!p0 $0x7  }
0x26b: {  	_ =	swait.ge @!p0 [sflag:s0], s1  }
0x26c: {  	s1 =	ssub.s32 @!p0 $0x0, s1;
	[sflag:s0] =	ssyncset.done @!p0 $0x0  }
0x26d: {  	[sflag:s0] =	ssyncadd.s32 @!p0 s1  }
0x26e: {  	[bflag:$0x3] =	sbarrier.arrive $0xFFFF  }
0x26f: {  	_ =	shalt  }

</sc_bundles>
